<compile_context>
chip_gen: v7x
topology: tpu7x:2x2x1
jax: 0.10.2.dev20260603
libtpu: 0.0.44.dev20260713+nightly
codegen_flags: <defaults>
</compile_context>

<pallas_src>
import functools

import jax
import jax.numpy as jnp
import numpy as np
from jax import lax
from jax.experimental import pallas as pl
from jax.experimental.pallas import tpu as pltpu
from jax.experimental.pallas import tpu_sc as plsc

B = 1024
D = 128
V = 100000
K = 101
ROWS = 2 * B

NC, NS, L = 2, 16, 16
NW = NC * NS
SC_ROWS = 768
TC_ROWS = ROWS - SC_ROWS
RPW = SC_ROWS // NW
LOCSZ = 32
NVREG = V // L
NBLK = NVREG // 2
CAP = 2048
T0 = 0.9975
T0_BITS = int(np.float32(T0).view(np.int32))
HI_BITS = 0x7F800000
R_BLK = 16


def _hs(t):
    return jnp.clip((t + 3.0) / 6.0, 0.0, 1.0)


def _splat(x, dtype=None):
    v = jnp.broadcast_to(x, (L,))
    return v.astype(dtype) if dtype is not None else v


def _sc_stats_body(cos_hbm, s_hbm, ss_hbm, t_hbm, buf, cand, offref, s_loc,
                   ss_loc, t_loc):
    wid = lax.axis_index("s") * NC + lax.axis_index("c")
    row0 = wid * RPW
    zeros16i = jnp.zeros((L,), jnp.int32)
    zeros16f = jnp.zeros((L,), jnp.float32)
    t0v = jnp.full((L,), T0, jnp.float32)
    lanes = lax.broadcasted_iota(jnp.int32, (L,), 0)

    def row_body(r_local, carry):
        sacc, ssacc, tacc = carry
        row = row0 + r_local
        pltpu.sync_copy(cos_hbm.at[row], buf)
        offref[...] = zeros16i

        def block(i, unused):
            v0 = buf[pl.ds(i * (2 * L), L)]
            v1 = buf[pl.ds(i * (2 * L) + L, L)]
            hit = jnp.max(jnp.maximum(v0, v1)) > T0

            @pl.when(hit)
            def _commit():
                offv = offref[...]
                o = offv[0]
                c0 = jnp.sum((v0 > t0v).astype(jnp.int32))
                c1 = jnp.sum((v1 > t0v).astype(jnp.int32))
                k0, _ = plsc.sort_key_val(v0, v0, descending=True)
                k1, _ = plsc.sort_key_val(v1, v1, descending=True)
                cand[pl.ds(jnp.minimum(o, CAP - 2 * L), L)] = k0
                cand[pl.ds(jnp.minimum(o + c0, CAP - L), L)] = k1
                offref[...] = offv + _splat(c0 + c1)

            return 0

        lax.fori_loop(0, NBLK, block, 0)
        tot = offref[...][0]
        cand[pl.ds(jnp.minimum(tot, CAP - L), L)] = zeros16f

        def count_ge(ref, nv, key_fn, mid):
            midv = _splat(mid)

            def cnt(j, acc):
                ci = key_fn(ref[pl.ds(j * L, L)])
                return acc + (ci >= midv).astype(jnp.int32)

            return jnp.sum(lax.fori_loop(0, nv, cnt, zeros16i))

        def bisect(ref, nv, key_fn, lo0, hi0):
            def cond(c):
                lo, hi = c
                return (hi - lo) > 1

            def body(c):
                lo, hi = c
                mid = lo + ((hi - lo) >> 1)
                ok = count_ge(ref, nv, key_fn, mid) >= K
                return (jnp.where(ok, mid, lo), jnp.where(ok, hi, mid))

            return lax.while_loop(cond, body, (lo0, hi0))[0]

        def dv_sums(ref, nv, thr):
            thrv = _splat(thr)

            def acc(j, c):
                a, aa = c
                dv = jnp.maximum(ref[pl.ds(j * L, L)] - thrv, 0.0)
                return a + dv, aa + dv * dv

            a, aa = lax.fori_loop(0, nv, acc, (zeros16f, zeros16f))
            return jnp.sum(a), jnp.sum(aa)

        def fast_path(_):
            nv = (jnp.minimum(tot, CAP - L) + (L - 1)) // L
            kf = lambda v: plsc.bitcast(v, jnp.int32)
            lob = bisect(cand, nv, kf, jnp.int32(T0_BITS), jnp.int32(HI_BITS))
            thr = jnp.max(plsc.bitcast(_splat(lob), jnp.float32))
            sv, ssv = dv_sums(cand, nv, thr)
            return sv, ssv, thr

        def slow_path(_):
            def kf(v):
                ci = plsc.bitcast(v, jnp.int32)
                ku = plsc.bitcast(
                    jnp.where(ci < 0, ~ci, ci), jnp.uint32)
                return ku ^ jnp.uint32(0x80000000)

            lob = bisect(buf, NVREG, kf, jnp.uint32(0),
                         jnp.uint32(0xFFFFFFFF))
            ks = plsc.bitcast(_splat(lob ^ jnp.uint32(0x80000000)),
                              jnp.int32)
            thrv = plsc.bitcast(jnp.where(ks < 0, ~ks, ks), jnp.float32)
            thr = jnp.max(thrv)
            sv, ssv = dv_sums(buf, NVREG, thr)
            return sv, ssv, thr

        ok_fast = jnp.logical_and(tot >= K, tot <= CAP - L)
        sv, ssv, thr = lax.cond(ok_fast, fast_path, slow_path, 0)

        lane = r_local & (L - 1)
        sel = lanes == _splat(lane)
        sacc = jnp.where(sel, _splat(sv), sacc)
        ssacc = jnp.where(sel, _splat(ssv), ssacc)
        tacc = jnp.where(sel, _splat(thr), tacc)

        @pl.when(lane == L - 1)
        def _flush():
            base = r_local - (L - 1)
            s_loc[pl.ds(base, L)] = sacc
            ss_loc[pl.ds(base, L)] = ssacc
            t_loc[pl.ds(base, L)] = tacc

        return sacc, ssacc, tacc

    zf = jnp.zeros((L,), jnp.float32)
    fin_s, fin_ss, fin_t = lax.fori_loop(0, RPW, row_body, (zf, zf, zf))
    if RPW % L:
        base = RPW - (RPW % L)
        s_loc[pl.ds(base, L)] = fin_s
        ss_loc[pl.ds(base, L)] = fin_ss
        t_loc[pl.ds(base, L)] = fin_t
    pltpu.sync_copy(s_loc.at[pl.ds(0, RPW)], s_hbm.at[pl.ds(row0, RPW)])
    pltpu.sync_copy(ss_loc.at[pl.ds(0, RPW)], ss_hbm.at[pl.ds(row0, RPW)])
    pltpu.sync_copy(t_loc.at[pl.ds(0, RPW)], t_hbm.at[pl.ds(row0, RPW)])


_sc_stats = functools.partial(
    pl.kernel,
    mesh=plsc.VectorSubcoreMesh(core_axis_name="c", subcore_axis_name="s"),
    compiler_params=pltpu.CompilerParams(needs_layout_passes=False),
    out_type=[jax.ShapeDtypeStruct((SC_ROWS,), jnp.float32)] * 3,
    scratch_types=[
        pltpu.VMEM((V,), jnp.float32),
        pltpu.VMEM((CAP,), jnp.float32),
        pltpu.VMEM((L,), jnp.int32),
        pltpu.VMEM((LOCSZ,), jnp.float32),
        pltpu.VMEM((LOCSZ,), jnp.float32),
        pltpu.VMEM((LOCSZ,), jnp.float32),
    ],
)(_sc_stats_body)


def _tc_stats_body(cos_ref, s_ref, ss_ref, t_ref):
    v = cos_ref[...]
    vi = lax.bitcast_convert_type(v, jnp.int32)

    cnt0 = jnp.sum((vi >= T0_BITS).astype(jnp.int32), axis=1, keepdims=True)
    fastr = cnt0 >= K
    lo = jnp.where(fastr, jnp.int32(T0_BITS), jnp.int32(0))
    hi = jnp.where(fastr, jnp.int32(0x3F800001), jnp.int32(T0_BITS))

    def wcond(carry):
        lo, hi = carry
        return jnp.any(hi - lo > 1)

    def step(carry):
        lo, hi = carry
        mid = (lo + hi) >> 1
        cnt = jnp.sum((vi >= mid).astype(jnp.int32), axis=1, keepdims=True)
        pred = cnt >= K
        return jnp.where(pred, mid, lo), jnp.where(pred, hi, mid)

    lo, hi = lax.while_loop(wcond, step, (lo, hi))
    thr = lax.bitcast_convert_type(lo, jnp.float32)

    dv = jnp.maximum(v - thr, 0.0)
    s_ref[...] = jnp.sum(dv, axis=1, keepdims=True)
    ss_ref[...] = jnp.sum(dv * dv, axis=1, keepdims=True)
    t_ref[...] = thr


def _loss_body(xp_ref, xa_ref, sp_ref, ssp_ref, tp_ref, sa_ref, ssa_ref,
               ta_ref, scal_ref, out_ref):
    w = scal_ref[0, 0]
    b = scal_ref[0, 1]
    w2 = scal_ref[0, 2]
    w3 = scal_ref[0, 3]
    b2 = scal_ref[0, 4]
    b3 = scal_ref[0, 5]

    xp = xp_ref[...]
    xa = xa_ref[...]
    eps = jnp.float32(1e-8)
    n_p = jnp.maximum(jnp.sqrt(jnp.sum(xp * xp, axis=1, keepdims=True)), eps)
    n_a = jnp.maximum(jnp.sqrt(jnp.sum(xa * xa, axis=1, keepdims=True)), eps)
    dot = lax.dot_general(xp, xa, (((1,), (1,)), ((), ())),
                          preferred_element_type=jnp.float32)
    out_dot = dot / (n_p * n_a.T)

    kf = jnp.float32(K)
    km1 = jnp.float32(K - 1)
    mean_a = ta_ref[...] + sa_ref[...] / kf
    var_a = jnp.maximum(ssa_ref[...] - sa_ref[...] * sa_ref[...] / kf, 0.0) / km1
    std_a = jnp.sqrt(var_a)
    mean_p = tp_ref[...] + sp_ref[...] / kf
    var_p = jnp.maximum(ssp_ref[...] - sp_ref[...] * sp_ref[...] / kf, 0.0) / km1
    std_p = jnp.sqrt(var_p)

    d1 = _hs(mean_a * w2 + w3).T
    s1 = _hs(std_a * b2 + b3).T
    d2 = _hs(mean_p * w2 + w3)
    s2 = _hs(std_p * b2 + b3)

    odn = 0.5 * ((out_dot - d1) / s1 + (out_dot - d2) / s2)
    cs = odn * w + b

    rmax = jnp.max(cs, axis=1, keepdims=True)
    lse = jnp.log(jnp.sum(jnp.exp(cs - rmax), axis=1, keepdims=True)) + rmax
    ii = lax.broadcasted_iota(jnp.int32, (B, B), 0)
    jj = lax.broadcasted_iota(jnp.int32, (B, B), 1)
    diag = jnp.sum(jnp.where(ii == jj, cs, 0.0), axis=1, keepdims=True)
    out_ref[0, 0] = jnp.mean(lse - diag)


@jax.jit
def kernel(x, cosine, label, w, b, w2, w3, b2, b3):
    del label
    rows = cosine.reshape(ROWS, V)

    s1, ss1, t1 = _sc_stats(rows)

    s2, ss2, t2 = pl.pallas_call(
        _tc_stats_body,
        grid=(TC_ROWS // R_BLK,),
        in_specs=[pl.BlockSpec((R_BLK, V),
                               lambda i: (i + SC_ROWS // R_BLK, 0))],
        out_specs=[pl.BlockSpec((R_BLK, 1), lambda i: (i, 0))] * 3,
        out_shape=[jax.ShapeDtypeStruct((TC_ROWS, 1), jnp.float32)] * 3,
    )(rows)

    s = jnp.concatenate([s1.reshape(SC_ROWS, 1), s2])
    ss = jnp.concatenate([ss1.reshape(SC_ROWS, 1), ss2])
    t = jnp.concatenate([t1.reshape(SC_ROWS, 1), t2])
    sp, sa = s[0::2], s[1::2]
    ssp, ssa = ss[0::2], ss[1::2]
    tp, ta = t[0::2], t[1::2]
    xp = x[:, 0, :]
    xa = x[:, 1, :]
    scal = jnp.stack([w, b, w2, w3, b2, b3]).reshape(1, 6).astype(jnp.float32)

    out = pl.pallas_call(
        _loss_body,
        in_specs=[pl.BlockSpec(memory_space=pltpu.VMEM)] * 8
        + [pl.BlockSpec(memory_space=pltpu.SMEM)],
        out_specs=pl.BlockSpec(memory_space=pltpu.SMEM),
        out_shape=jax.ShapeDtypeStruct((1, 1), jnp.float32),
    )(xp, xa, sp, ssp, tp, sa, ssa, ta, scal)
    return out[0, 0]

# --- scband reference (transcript-rebuilt; emitter-appended) ---
"""Pipeline reference for scband-loss-function-33689723469855 (READ-ONLY COPY).

The authoritative reference and input builder live on the scoring server;
editing this copy changes nothing except your own understanding.
"""

import jax, jax.numpy as jnp
import numpy as np

B, P, D, V, COHORT = 1024, 2, 128, 100000, 101  # cohort_size + 1


def _hardsigmoid(t):
    return jnp.clip((t + 3.0) / 6.0, 0.0, 1.0)


def setup_inputs(seed: int = 0):
    key = jax.random.key(seed)
    k1, k2, k3 = jax.random.split(key, 3)
    x = jax.random.normal(k1, (B, P, D), dtype=jnp.float32)
    cosine = jax.random.uniform(k2, (B, P, V), dtype=jnp.float32)
    label = jax.random.randint(k3, (B, P), 0, V, dtype=jnp.int32)
    w = jnp.asarray(10.0, dtype=jnp.float32)
    b = jnp.asarray(-5.0, dtype=jnp.float32)
    w2 = jnp.asarray(0.0, dtype=jnp.float32)
    w3 = jnp.asarray(-2.8, dtype=jnp.float32)
    b2 = jnp.asarray(0.0, dtype=jnp.float32)
    b3 = jnp.asarray(2.8, dtype=jnp.float32)
    return {"x": x, "cosine": cosine, "label": label, "w": w, "b": b, "w2": w2, "w3": w3, "b2": b2, "b3": b3}


def reference(x, cosine, label, w, b, w2, w3, b2, b3):
    # out_anchor = mean over utterances 1..P-1, out_positive = utterance 0
    out_anchor = jnp.mean(x[:, 1:, :], axis=1)          # [B, D]
    out_positive = x[:, 0, :]                            # [B, D]
    batchsize = out_anchor.shape[0]
    cosine_anchor = jnp.mean(cosine[:, 1:, :], axis=1)   # [B, V]
    cosine_positive = cosine[:, 0, :]                    # [B, V]

    # F.cosine_similarity(out_positive.unsqueeze(-1), out_anchor.unsqueeze(-1).transpose(0,2)) -> [B, B]
    eps = 1e-8
    n_pos = jnp.maximum(jnp.linalg.norm(out_positive, axis=-1), eps)  # [B]
    n_anc = jnp.maximum(jnp.linalg.norm(out_anchor, axis=-1), eps)    # [B]
    dot = out_positive @ out_anchor.T                                  # [B, B]
    out_dot = dot / (n_pos[:, None] * n_anc[None, :])

    # top-k cohorts (sorted=True, largest=True)
    cohort1 = jax.lax.top_k(cosine_anchor, COHORT)[0].T   # [COHORT, B] (matches topk along dim=0 of transpose)
    cohort2 = jax.lax.top_k(cosine_positive, COHORT)[0]   # [B, COHORT]

    # torch.var_mean uses unbiased variance (correction=1)
    mean1 = jnp.mean(cohort1, axis=0, keepdims=True)                    # [1, B]
    var1 = jnp.sum((cohort1 - mean1) ** 2, axis=0, keepdims=True) / (COHORT - 1)
    std1 = jnp.sqrt(var1)
    mean2 = jnp.mean(cohort2, axis=-1, keepdims=True)                   # [B, 1]
    var2 = jnp.sum((cohort2 - mean2) ** 2, axis=-1, keepdims=True) / (COHORT - 1)
    std2 = jnp.sqrt(var2)

    # NOTE: the per-row cohort label-filtering loops in the torch code produce
    # tensors that are never used afterward (dead code w.r.t. the returned loss),
    # so they are omitted here; the loss only depends on mean/std computed above.
    out_dot1 = (out_dot - _hardsigmoid(mean1 * w2 + w3)) / _hardsigmoid(std1 * b2 + b3)
    out_dot2 = (out_dot - _hardsigmoid(mean2 * w2 + w3)) / _hardsigmoid(std2 * b2 + b3)
    out_dot_n = 0.5 * (out_dot1 + out_dot2)

    cos_sim_matrix = out_dot_n * w + b                   # [B, B]
    tgt = jnp.arange(batchsize)
    lse = jax.nn.logsumexp(cos_sim_matrix, axis=-1)      # [B]
    nloss = jnp.mean(lse - cos_sim_matrix[tgt, tgt])     # CrossEntropyLoss(mean)
    return nloss

if __name__ == "__main__":
    import jax
    _d = setup_inputs()
    print(jax.jit(kernel)(*tuple(_d.values())))

</pallas_src>

<mosaic_0001>
#map = affine_map<(d0, d1) -> (0, 0)>
#map1 = affine_map<(d0, d1) -> (0)>
module attributes {stable_mosaic.version = 14 : i64} {
  func.func @_sc_stats_body(%arg0: i32, %arg1: i32, %arg2: memref<2048x100000xf32, #tpu.memory_space<hbm>>, %arg3: memref<768xf32, #tpu.memory_space<hbm>>, %arg4: memref<768xf32, #tpu.memory_space<hbm>>, %arg5: memref<768xf32, #tpu.memory_space<hbm>>, %arg6: memref<100000xf32, #tpu.memory_space<vmem>>, %arg7: memref<2048xf32, #tpu.memory_space<vmem>>, %arg8: memref<16xi32, #tpu.memory_space<vmem>>, %arg9: memref<32xf32, #tpu.memory_space<vmem>>, %arg10: memref<32xf32, #tpu.memory_space<vmem>>, %arg11: memref<32xf32, #tpu.memory_space<vmem>>) attributes {dimension_semantics = [#tpu.dimension_semantics<core_parallel>, #tpu.dimension_semantics<subcore_parallel>], iteration_bounds = array<i64: 2, 16>, scalar_prefetch = 0 : i64, scratch_operands = 6 : i64, tpu.core_type = #tpu.core_type<sc_vector_subcore>, window_params = [{transform_indices = #map}, {transform_indices = #map1}, {transform_indices = #map1}, {transform_indices = #map1}]} {
    %mul3A = arith.constant 2 : i32
    %mul3A_0 = arith.muli %arg1, %mul3A : i32
    %add3A = arith.addi %mul3A_0, %arg0 : i32
    %mul3A_1 = arith.constant 24 : i32
    %mul3A_2 = arith.muli %add3A, %mul3A_1 : i32
    %broadcast_in_dim3A = arith.constant 0 : i32
    %broadcast_in_dim3A_3 = vector.broadcast %broadcast_in_dim3A : i32 to vector<16xi32>
    %broadcast_in_dim3A_4 = arith.constant 0.000000e+00 : f32
    %broadcast_in_dim3A_5 = vector.broadcast %broadcast_in_dim3A_4 : f32 to vector<16xf32>
    %broadcast_in_dim3A_6 = arith.constant 9.975000e-01 : f32
    %broadcast_in_dim3A_7 = vector.broadcast %broadcast_in_dim3A_6 : f32 to vector<16xf32>
    %iota3A = tpu.iota {dimensions = array<i32: 0>} : vector<16xi32>
    %broadcast_in_dim3A_8 = arith.constant 0.000000e+00 : f32
    %broadcast_in_dim3A_9 = vector.broadcast %broadcast_in_dim3A_8 : f32 to vector<16xf32>
    %scan3A = arith.constant 0 : i32
    %scan3A_10 = arith.constant 24 : i32
    %scan3A_11 = arith.addi %scan3A, %scan3A_10 : i32
    %scan3A_12 = arith.constant 1 : i32
    %scan3A_13:3 = scf.for %scan3A_20 = %scan3A to %scan3A_11 step %scan3A_12 iter_args(%scan3A_21 = %broadcast_in_dim3A_9, %scan3A_22 = %broadcast_in_dim3A_9, %scan3A_23 = %broadcast_in_dim3A_9) -> (vector<16xf32>, vector<16xf32>, vector<16xf32>)  : i32 {
      %add3A_24 = arith.addi %mul3A_2, %scan3A_20 : i32
      "tpu.region"() ({
        %run_scoped3A = tpu.sem_alloc : memref<!tpu.dma_semaphore, #tpu.memory_space<semaphore_mem>>
        %dma_start3A = arith.constant 0 : i32
        %dma_start3A_56 = tpu.memref_slice %arg2[%add3A_24, %dma_start3A] : memref<2048x100000xf32, #tpu.memory_space<hbm>> -> memref<1x100000xf32, #tpu.memory_space<hbm>>
        %dma_start3A_57 = tpu.memref_squeeze %dma_start3A_56 : memref<1x100000xf32, #tpu.memory_space<hbm>> -> memref<100000xf32, #tpu.memory_space<hbm>>
        %dma_start3A_58 = arith.constant 0 : i32
        %dma_start3A_59 = tpu.memref_slice %arg2[%add3A_24, %dma_start3A_58] : memref<2048x100000xf32, #tpu.memory_space<hbm>> -> memref<1x100000xf32, #tpu.memory_space<hbm>>
        %dma_start3A_60 = tpu.memref_squeeze %dma_start3A_59 : memref<1x100000xf32, #tpu.memory_space<hbm>> -> memref<100000xf32, #tpu.memory_space<hbm>>
        tpu.enqueue_dma source(%dma_start3A_60 : memref<100000xf32, #tpu.memory_space<hbm>>) target(%arg6 : memref<100000xf32, #tpu.memory_space<vmem>>) target_semaphore(%run_scoped3A : memref<!tpu.dma_semaphore, #tpu.memory_space<semaphore_mem>>)
        %dma_wait3A = arith.constant 0 : i32
        %dma_wait3A_61 = tpu.memref_slice %arg2[%add3A_24, %dma_wait3A] : memref<2048x100000xf32, #tpu.memory_space<hbm>> -> memref<1x100000xf32, #tpu.memory_space<hbm>>
        %dma_wait3A_62 = tpu.memref_squeeze %dma_wait3A_61 : memref<1x100000xf32, #tpu.memory_space<hbm>> -> memref<100000xf32, #tpu.memory_space<hbm>>
        %dma_wait3A_63 = arith.constant 0 : i32
        %dma_wait3A_64 = tpu.memref_slice %arg2[%add3A_24, %dma_wait3A_63] : memref<2048x100000xf32, #tpu.memory_space<hbm>> -> memref<1x100000xf32, #tpu.memory_space<hbm>>
        %dma_wait3A_65 = tpu.memref_squeeze %dma_wait3A_64 : memref<1x100000xf32, #tpu.memory_space<hbm>> -> memref<100000xf32, #tpu.memory_space<hbm>>
        tpu.wait_dma2 semaphore(%run_scoped3A : memref<!tpu.dma_semaphore, #tpu.memory_space<semaphore_mem>>) src(%dma_wait3A_65 : memref<100000xf32, #tpu.memory_space<hbm>>) dst(%arg6 : memref<100000xf32, #tpu.memory_space<vmem>>)
        tpu.yield
      }) : () -> ()
      %swap3A_25 = arith.constant 0 : index
      %swap3A_26 = tpu.vector_load %arg8[%swap3A_25] {strides = array<i32>} : memref<16xi32, #tpu.memory_space<vmem>>, vector<16xi32>,
      tpu.vector_store %arg8[%swap3A_25], %broadcast_in_dim3A_3 {strides = array<i32>} : memref<16xi32, #tpu.memory_space<vmem>>, vector<16xi32>,
      %scan3A_27 = arith.constant 0 : i32
      %scan3A_28 = arith.constant 0 : i32
      %scan3A_29 = arith.constant 3125 : i32
      %scan3A_30 = arith.addi %scan3A_28, %scan3A_29 : i32
      %scan3A_31 = arith.constant 1 : i32
      %scan3A_32 = scf.for %scan3A_56 = %scan3A_28 to %scan3A_30 step %scan3A_31 iter_args(%scan3A_57 = %scan3A_27) -> (i32)  : i32 {
        %mul3A_58 = arith.constant 32 : i32
        %mul3A_59 = arith.muli %scan3A_56, %mul3A_58 : i32
        %get3A_60 = arith.index_cast %mul3A_59 : i32 to index
        %get3A_61 = tpu.vector_load %arg6[%get3A_60] {strides = array<i32>} : memref<100000xf32, #tpu.memory_space<vmem>>, vector<16xf32>,
        %mul3A_62 = arith.constant 32 : i32
        %mul3A_63 = arith.muli %scan3A_56, %mul3A_62 : i32
        %add3A_64 = arith.constant 16 : i32
        %add3A_65 = arith.addi %mul3A_63, %add3A_64 : i32
        %get3A_66 = arith.index_cast %add3A_65 : i32 to index
        %get3A_67 = tpu.vector_load %arg6[%get3A_66] {strides = array<i32>} : memref<100000xf32, #tpu.memory_space<vmem>>, vector<16xf32>,
        %max3A = arith.maximumf %get3A_61, %get3A_67 : vector<16xf32>
        %reduce_max3A = arith.constant true
        %reduce_max3A_68 = vector.broadcast %reduce_max3A : i1 to vector<16xi1>
        %reduce_max3A_69 = tpu.scan <max>, %max3A masked %reduce_max3A_68 : vector<16xf32>, vector<16xi1> -> vector<16xf32>
        %reduce_max3A_70 = vector.extract %reduce_max3A_69[15] : f32 from vector<16xf32>
        %gt3A = arith.constant 9.975000e-01 : f32
        %gt3A_71 = arith.cmpf ogt, %reduce_max3A_70, %gt3A : f32
        %convert_element_type3A_72 = arith.extui %gt3A_71 : i1 to i32
        %cond3A_73 = arith.constant 0 : i32
        %cond3A_74 = arith.cmpi ne, %convert_element_type3A_72, %cond3A_73 : i32
        scf.if %cond3A_74 {
          %get3A_76 = arith.constant 0 : index
          %get3A_77 = tpu.vector_load %arg8[%get3A_76] {strides = array<i32>} : memref<16xi32, #tpu.memory_space<vmem>>, vector<16xi32>,
          %slice3A_78 = vector.extract_strided_slice %get3A_77 {offsets = [0], sizes = [1], strides = [1]} : vector<16xi32> to vector<1xi32>
          %squeeze3A_79 = vector.extract %slice3A_78[0] : i32 from vector<1xi32>
          %gt3A_80 = arith.cmpf ogt, %get3A_61, %broadcast_in_dim3A_7 : vector<16xf32>
          %convert_element_type3A_81 = arith.extui %gt3A_80 : vector<16xi1> to vector<16xi32>
          %reduce_sum3A = arith.constant true
          %reduce_sum3A_82 = vector.broadcast %reduce_sum3A : i1 to vector<16xi1>
          %reduce_sum3A_83 = tpu.scan <sum>, %convert_element_type3A_81 masked %reduce_sum3A_82 : vector<16xi32>, vector<16xi1> -> vector<16xi32>
          %reduce_sum3A_84 = vector.extract %reduce_sum3A_83[15] : i32 from vector<16xi32>
          %gt3A_85 = arith.cmpf ogt, %get3A_67, %broadcast_in_dim3A_7 : vector<16xf32>
          %convert_element_type3A_86 = arith.extui %gt3A_85 : vector<16xi1> to vector<16xi32>
          %reduce_sum3A_87 = arith.constant true
          %reduce_sum3A_88 = vector.broadcast %reduce_sum3A_87 : i1 to vector<16xi1>
          %reduce_sum3A_89 = tpu.scan <sum>, %convert_element_type3A_86 masked %reduce_sum3A_88 : vector<16xi32>, vector<16xi1> -> vector<16xi32>
          %reduce_sum3A_90 = vector.extract %reduce_sum3A_89[15] : i32 from vector<16xi32>
          %masked_sort3A = arith.constant dense<true> : vector<16xi1>
          %masked_sort3A_91, %masked_sort3A_92, %masked_sort3A_93 = tpu.sort %get3A_61, %get3A_61 masked %masked_sort3A {descending = true} : (vector<16xf32>, vector<16xf32>, vector<16xi1>) -> (vector<16xi1>, vector<16xf32>, vector<16xf32>)
          %masked_sort3A_94 = arith.constant dense<true> : vector<16xi1>
          %masked_sort3A_95, %masked_sort3A_96, %masked_sort3A_97 = tpu.sort %get3A_67, %get3A_67 masked %masked_sort3A_94 {descending = true} : (vector<16xf32>, vector<16xf32>, vector<16xi1>) -> (vector<16xi1>, vector<16xf32>, vector<16xf32>)
          %min3A_98 = arith.constant 2016 : i32
          %min3A_99 = arith.minsi %squeeze3A_79, %min3A_98 : i32
          %swap3A_100 = arith.index_cast %min3A_99 : i32 to index
          %swap3A_101 = tpu.vector_load %arg7[%swap3A_100] {strides = array<i32>} : memref<2048xf32, #tpu.memory_space<vmem>>, vector<16xf32>,
          tpu.vector_store %arg7[%swap3A_100], %masked_sort3A_92 {strides = array<i32>} : memref<2048xf32, #tpu.memory_space<vmem>>, vector<16xf32>,
          %add3A_102 = arith.addi %squeeze3A_79, %reduce_sum3A_84 : i32
          %min3A_103 = arith.constant 2032 : i32
          %min3A_104 = arith.minsi %add3A_102, %min3A_103 : i32
          %swap3A_105 = arith.index_cast %min3A_104 : i32 to index
          %swap3A_106 = tpu.vector_load %arg7[%swap3A_105] {strides = array<i32>} : memref<2048xf32, #tpu.memory_space<vmem>>, vector<16xf32>,
          tpu.vector_store %arg7[%swap3A_105], %masked_sort3A_96 {strides = array<i32>} : memref<2048xf32, #tpu.memory_space<vmem>>, vector<16xf32>,
          %add3A_107 = arith.addi %reduce_sum3A_84, %reduce_sum3A_90 : i32
          %broadcast_in_dim3A_108 = vector.broadcast %add3A_107 : i32 to vector<16xi32>
          %add3A_109 = arith.addi %get3A_77, %broadcast_in_dim3A_108 : vector<16xi32>
          %swap3A_110 = arith.constant 0 : index
          %swap3A_111 = tpu.vector_load %arg8[%swap3A_110] {strides = array<i32>} : memref<16xi32, #tpu.memory_space<vmem>>, vector<16xi32>,
          tpu.vector_store %arg8[%swap3A_110], %add3A_109 {strides = array<i32>} : memref<16xi32, #tpu.memory_space<vmem>>, vector<16xi32>,
        } else {
        }
        %scan3A_75 = arith.constant 0 : i32
        scf.yield %scan3A_75 : i32
      }
      %scan3A_33 = arith.constant 3125 : i32
      %get3A = arith.constant 0 : index
      %get3A_34 = tpu.vector_load %arg8[%get3A] {strides = array<i32>} : memref<16xi32, #tpu.memory_space<vmem>>, vector<16xi32>,
      %slice3A = vector.extract_strided_slice %get3A_34 {offsets = [0], sizes = [1], strides = [1]} : vector<16xi32> to vector<1xi32>
      %squeeze3A = vector.extract %slice3A[0] : i32 from vector<1xi32>
      %min3A = arith.constant 2032 : i32
      %min3A_35 = arith.minsi %squeeze3A, %min3A : i32
      %swap3A_36 = arith.index_cast %min3A_35 : i32 to index
      %swap3A_37 = tpu.vector_load %arg7[%swap3A_36] {strides = array<i32>} : memref<2048xf32, #tpu.memory_space<vmem>>, vector<16xf32>,
      tpu.vector_store %arg7[%swap3A_36], %broadcast_in_dim3A_5 {strides = array<i32>} : memref<2048xf32, #tpu.memory_space<vmem>>, vector<16xf32>,
      %ge3A = arith.constant 101 : i32
      %ge3A_38 = arith.cmpi sge, %squeeze3A, %ge3A : i32
      %le3A = arith.constant 2032 : i32
      %le3A_39 = arith.cmpi sle, %squeeze3A, %le3A : i32
      %and3A = arith.andi %ge3A_38, %le3A_39 : i1
      %convert_element_type3A = arith.extui %and3A : i1 to i32
      %cond3A = arith.constant 0 : i32
      %cond3A_40 = arith.constant 0 : i32
      %cond3A_41 = arith.cmpi ne, %convert_element_type3A, %cond3A_40 : i32
      %cond3A_42:3 = scf.if %cond3A_41 -> (f32, f32, f32) {
        %min3A_56 = arith.constant 2032 : i32
        %min3A_57 = arith.minsi %squeeze3A, %min3A_56 : i32
        %add3A_58 = arith.constant 15 : i32
        %add3A_59 = arith.addi %min3A_57, %add3A_58 : i32
        %jit3A = arith.constant 16 : i32
        %div3A = arith.divsi %add3A_59, %jit3A : i32
        %sign3A = arith.constant 0 : i32
        %sign3A_60 = arith.cmpi sgt, %add3A_59, %sign3A : i32
        %sign3A_61 = arith.extui %sign3A_60 : i1 to i32
        %sign3A_62 = arith.constant 0 : i32
        %sign3A_63 = arith.cmpi slt, %add3A_59, %sign3A_62 : i32
        %sign3A_64 = arith.extui %sign3A_63 : i1 to i32
        %sign3A_65 = arith.subi %sign3A_61, %sign3A_64 : i32
        %sign3A_66 = arith.constant 0 : i32
        %sign3A_67 = arith.cmpi sgt, %jit3A, %sign3A_66 : i32
        %sign3A_68 = arith.extui %sign3A_67 : i1 to i32
        %sign3A_69 = arith.constant 0 : i32
        %sign3A_70 = arith.cmpi slt, %jit3A, %sign3A_69 : i32
        %sign3A_71 = arith.extui %sign3A_70 : i1 to i32
        %sign3A_72 = arith.subi %sign3A_68, %sign3A_71 : i32
        %ne3A = arith.cmpi ne, %sign3A_65, %sign3A_72 : i32
        %rem3A = arith.remsi %add3A_59, %jit3A : i32
        %ne3A_73 = arith.constant 0 : i32
        %ne3A_74 = arith.cmpi ne, %rem3A, %ne3A_73 : i32
        %and3A_75 = arith.andi %ne3A, %ne3A_74 : i1
        %sub3A = arith.constant 1 : i32
        %sub3A_76 = arith.subi %div3A, %sub3A : i32
        %select_n3A_77 = arith.select %and3A_75, %sub3A_76, %div3A : i32
        %while3A = arith.constant 1065311273 : i32
        %while3A_78 = arith.constant 2139095040 : i32
        %while3A_79:2 = scf.while (%while3A_103 = %while3A, %while3A_104 = %while3A_78) : (i32, i32) -> (i32, i32) {
          %sub3A_105 = arith.subi %while3A_104, %while3A_103 : i32
          %gt3A = arith.constant 1 : i32
          %gt3A_106 = arith.cmpi sgt, %sub3A_105, %gt3A : i32
          scf.condition(%gt3A_106) %while3A_103, %while3A_104 : i32, i32
        } do {
        ^bb0(%while3A_103: i32, %while3A_104: i32):
          %sub3A_105 = arith.subi %while3A_104, %while3A_103 : i32
          %shift_right_arithmetic3A = arith.constant 1 : i32
          %shift_right_arithmetic3A_106 = arith.shrsi %sub3A_105, %shift_right_arithmetic3A : i32
          %add3A_107 = arith.addi %while3A_103, %shift_right_arithmetic3A_106 : i32
          %broadcast_in_dim3A_108 = vector.broadcast %add3A_107 : i32 to vector<16xi32>
          %while3A_109 = arith.constant 0 : i32
          %while3A_110 = arith.subi %select_n3A_77, %while3A_109 : i32
          %while3A_111 = arith.addi %while3A_109, %while3A_110 : i32
          %while3A_112 = arith.constant 1 : i32
          %while3A_113 = arith.divsi %while3A_110, %while3A_112 : i32
          %while3A_114 = arith.muli %while3A_113, %while3A_112 : i32
          %while3A_115 = arith.addi %while3A_109, %while3A_114 : i32
          %while3A_116 = arith.constant 1 : i32
          %while3A_117 = scf.for %while3A_128 = %while3A_109 to %while3A_115 step %while3A_116 iter_args(%while3A_129 = %broadcast_in_dim3A_3) -> (vector<16xi32>)  : i32 {
            %mul3A_130 = arith.constant 16 : i32
            %mul3A_131 = arith.muli %while3A_128, %mul3A_130 : i32
            %get3A_132 = arith.index_cast %mul3A_131 : i32 to index
            %get3A_133 = tpu.vector_load %arg7[%get3A_132] {strides = array<i32>} : memref<2048xf32, #tpu.memory_space<vmem>>, vector<16xf32>,
            %bitcast3A_134 = vector.bitcast %get3A_133 : vector<16xf32> to vector<16xi32>
            %ge3A_135 = arith.cmpi sge, %bitcast3A_134, %broadcast_in_dim3A_108 : vector<16xi32>
            %convert_element_type3A_136 = arith.extui %ge3A_135 : vector<16xi1> to vector<16xi32>
            %add3A_137 = arith.addi %while3A_129, %convert_element_type3A_136 : vector<16xi32>
            scf.yield %add3A_137 : vector<16xi32>
          }
          %while3A_118 = arith.constant 1 : i32
          %while3A_119 = scf.for %while3A_128 = %while3A_115 to %while3A_111 step %while3A_118 iter_args(%while3A_129 = %while3A_117) -> (vector<16xi32>)  : i32 {
            %mul3A_130 = arith.constant 16 : i32
            %mul3A_131 = arith.muli %while3A_128, %mul3A_130 : i32
            %get3A_132 = arith.index_cast %mul3A_131 : i32 to index
            %get3A_133 = tpu.vector_load %arg7[%get3A_132] {strides = array<i32>} : memref<2048xf32, #tpu.memory_space<vmem>>, vector<16xf32>,
            %bitcast3A_134 = vector.bitcast %get3A_133 : vector<16xf32> to vector<16xi32>
            %ge3A_135 = arith.cmpi sge, %bitcast3A_134, %broadcast_in_dim3A_108 : vector<16xi32>
            %convert_element_type3A_136 = arith.extui %ge3A_135 : vector<16xi1> to vector<16xi32>
            %add3A_137 = arith.addi %while3A_129, %convert_element_type3A_136 : vector<16xi32>
            scf.yield %add3A_137 : vector<16xi32>
          }
          %reduce_sum3A_120 = arith.constant true
          %reduce_sum3A_121 = vector.broadcast %reduce_sum3A_120 : i1 to vector<16xi1>
          %reduce_sum3A_122 = tpu.scan <sum>, %while3A_119 masked %reduce_sum3A_121 : vector<16xi32>, vector<16xi1> -> vector<16xi32>
          %reduce_sum3A_123 = vector.extract %reduce_sum3A_122[15] : i32 from vector<16xi32>
          %ge3A_124 = arith.constant 101 : i32
          %ge3A_125 = arith.cmpi sge, %reduce_sum3A_123, %ge3A_124 : i32
          %select_n3A_126 = arith.select %ge3A_125, %add3A_107, %while3A_103 : i32
          %select_n3A_127 = arith.select %ge3A_125, %while3A_104, %add3A_107 : i32
          scf.yield %select_n3A_126, %select_n3A_127 : i32, i32
        }
        %broadcast_in_dim3A_80 = vector.broadcast %while3A_79#0 : i32 to vector<16xi32>
        %bitcast3A = vector.bitcast %broadcast_in_dim3A_80 : vector<16xi32> to vector<16xf32>
        %reduce_max3A = arith.constant true
        %reduce_max3A_81 = vector.broadcast %reduce_max3A : i1 to vector<16xi1>
        %reduce_max3A_82 = tpu.scan <max>, %bitcast3A masked %reduce_max3A_81 : vector<16xf32>, vector<16xi1> -> vector<16xf32>
        %reduce_max3A_83 = vector.extract %reduce_max3A_82[15] : f32 from vector<16xf32>
        %broadcast_in_dim3A_84 = vector.broadcast %reduce_max3A_83 : f32 to vector<16xf32>
        %while3A_85 = arith.constant 0 : i32
        %while3A_86 = arith.subi %select_n3A_77, %while3A_85 : i32
        %while3A_87 = arith.addi %while3A_85, %while3A_86 : i32
        %while3A_88 = arith.constant 1 : i32
        %while3A_89 = arith.divsi %while3A_86, %while3A_88 : i32
        %while3A_90 = arith.muli %while3A_89, %while3A_88 : i32
        %while3A_91 = arith.addi %while3A_85, %while3A_90 : i32
        %while3A_92 = arith.constant 1 : i32
        %while3A_93:2 = scf.for %while3A_103 = %while3A_85 to %while3A_91 step %while3A_92 iter_args(%while3A_104 = %broadcast_in_dim3A_5, %while3A_105 = %broadcast_in_dim3A_5) -> (vector<16xf32>, vector<16xf32>)  : i32 {
          %mul3A_106 = arith.constant 16 : i32
          %mul3A_107 = arith.muli %while3A_103, %mul3A_106 : i32
          %get3A_108 = arith.index_cast %mul3A_107 : i32 to index
          %get3A_109 = tpu.vector_load %arg7[%get3A_108] {strides = array<i32>} : memref<2048xf32, #tpu.memory_space<vmem>>, vector<16xf32>,
          %sub3A_110 = arith.subf %get3A_109, %broadcast_in_dim3A_84 : vector<16xf32>
          %max3A = arith.constant 0.000000e+00 : f32
          %max3A_111 = vector.broadcast %max3A : f32 to vector<16xf32>
          %max3A_112 = arith.maximumf %sub3A_110, %max3A_111 : vector<16xf32>
          %add3A_113 = arith.addf %while3A_104, %max3A_112 : vector<16xf32>
          %mul3A_114 = arith.mulf %max3A_112, %max3A_112 : vector<16xf32>
          %add3A_115 = arith.addf %while3A_105, %mul3A_114 : vector<16xf32>
          scf.yield %add3A_113, %add3A_115 : vector<16xf32>, vector<16xf32>
        }
        %while3A_94 = arith.constant 1 : i32
        %while3A_95:2 = scf.for %while3A_103 = %while3A_91 to %while3A_87 step %while3A_94 iter_args(%while3A_104 = %while3A_93#0, %while3A_105 = %while3A_93#1) -> (vector<16xf32>, vector<16xf32>)  : i32 {
          %mul3A_106 = arith.constant 16 : i32
          %mul3A_107 = arith.muli %while3A_103, %mul3A_106 : i32
          %get3A_108 = arith.index_cast %mul3A_107 : i32 to index
          %get3A_109 = tpu.vector_load %arg7[%get3A_108] {strides = array<i32>} : memref<2048xf32, #tpu.memory_space<vmem>>, vector<16xf32>,
          %sub3A_110 = arith.subf %get3A_109, %broadcast_in_dim3A_84 : vector<16xf32>
          %max3A = arith.constant 0.000000e+00 : f32
          %max3A_111 = vector.broadcast %max3A : f32 to vector<16xf32>
          %max3A_112 = arith.maximumf %sub3A_110, %max3A_111 : vector<16xf32>
          %add3A_113 = arith.addf %while3A_104, %max3A_112 : vector<16xf32>
          %mul3A_114 = arith.mulf %max3A_112, %max3A_112 : vector<16xf32>
          %add3A_115 = arith.addf %while3A_105, %mul3A_114 : vector<16xf32>
          scf.yield %add3A_113, %add3A_115 : vector<16xf32>, vector<16xf32>
        }
        %reduce_sum3A = arith.constant true
        %reduce_sum3A_96 = vector.broadcast %reduce_sum3A : i1 to vector<16xi1>
        %reduce_sum3A_97 = tpu.scan <sum>, %while3A_95#0 masked %reduce_sum3A_96 : vector<16xf32>, vector<16xi1> -> vector<16xf32>
        %reduce_sum3A_98 = vector.extract %reduce_sum3A_97[15] : f32 from vector<16xf32>
        %reduce_sum3A_99 = arith.constant true
        %reduce_sum3A_100 = vector.broadcast %reduce_sum3A_99 : i1 to vector<16xi1>
        %reduce_sum3A_101 = tpu.scan <sum>, %while3A_95#1 masked %reduce_sum3A_100 : vector<16xf32>, vector<16xi1> -> vector<16xf32>
        %reduce_sum3A_102 = vector.extract %reduce_sum3A_101[15] : f32 from vector<16xf32>
        scf.yield %reduce_sum3A_98, %reduce_sum3A_102, %reduce_max3A_83 : f32, f32, f32
      } else {
        %while3A = arith.constant 0 : i32
        %while3A_56 = arith.constant -1 : i32
        %while3A_57:2 = scf.while (%while3A_82 = %while3A, %while3A_83 = %while3A_56) : (i32, i32) -> (i32, i32) {
          %sub3A = arith.subi %while3A_83, %while3A_82 : i32
          %gt3A = arith.constant 1 : i32
          %gt3A_84 = arith.cmpi ugt, %sub3A, %gt3A : i32
          scf.condition(%gt3A_84) %while3A_82, %while3A_83 : i32, i32
        } do {
        ^bb0(%while3A_82: i32, %while3A_83: i32):
          %sub3A = arith.subi %while3A_83, %while3A_82 : i32
          %shift_right_logical3A = arith.constant 1 : i32
          %shift_right_logical3A_84 = arith.shrui %sub3A, %shift_right_logical3A : i32
          %add3A_85 = arith.addi %while3A_82, %shift_right_logical3A_84 : i32
          %broadcast_in_dim3A_86 = vector.broadcast %add3A_85 : i32 to vector<16xi32>
          %scan3A_87 = arith.constant 0 : i32
          %scan3A_88 = arith.constant 6250 : i32
          %scan3A_89 = arith.addi %scan3A_87, %scan3A_88 : i32
          %scan3A_90 = arith.constant 1 : i32
          %scan3A_91 = scf.for %scan3A_101 = %scan3A_87 to %scan3A_89 step %scan3A_90 iter_args(%scan3A_102 = %broadcast_in_dim3A_3) -> (vector<16xi32>)  : i32 {
            %mul3A_103 = arith.constant 16 : i32
            %mul3A_104 = arith.muli %scan3A_101, %mul3A_103 : i32
            %get3A_105 = arith.index_cast %mul3A_104 : i32 to index
            %get3A_106 = tpu.vector_load %arg6[%get3A_105] {strides = array<i32>} : memref<100000xf32, #tpu.memory_space<vmem>>, vector<16xf32>,
            %bitcast3A_107 = vector.bitcast %get3A_106 : vector<16xf32> to vector<16xi32>
            %lt3A_108 = arith.constant 0 : i32
            %lt3A_109 = vector.broadcast %lt3A_108 : i32 to vector<16xi32>
            %lt3A_110 = arith.cmpi slt, %bitcast3A_107, %lt3A_109 : vector<16xi32>
            %not3A_111 = arith.constant dense<-1> : vector<16xi32>
            %not3A_112 = arith.xori %bitcast3A_107, %not3A_111 : vector<16xi32>
            %select_n3A_113 = arith.select %lt3A_110, %not3A_112, %bitcast3A_107 : vector<16xi1>, vector<16xi32>
            %bitcast3A_114 = vector.bitcast %select_n3A_113 : vector<16xi32> to vector<16xi32>
            %xor3A_115 = arith.constant -2147483648 : i32
            %xor3A_116 = vector.broadcast %xor3A_115 : i32 to vector<16xi32>
            %xor3A_117 = arith.xori %bitcast3A_114, %xor3A_116 : vector<16xi32>
            %ge3A_118 = arith.cmpi uge, %xor3A_117, %broadcast_in_dim3A_86 : vector<16xi32>
            %convert_element_type3A_119 = arith.extui %ge3A_118 : vector<16xi1> to vector<16xi32>
            %add3A_120 = arith.addi %scan3A_102, %convert_element_type3A_119 : vector<16xi32>
            scf.yield %add3A_120 : vector<16xi32>
          }
          %scan3A_92 = arith.constant 6250 : i32
          %reduce_sum3A_93 = arith.constant true
          %reduce_sum3A_94 = vector.broadcast %reduce_sum3A_93 : i1 to vector<16xi1>
          %reduce_sum3A_95 = tpu.scan <sum>, %scan3A_91 masked %reduce_sum3A_94 : vector<16xi32>, vector<16xi1> -> vector<16xi32>
          %reduce_sum3A_96 = vector.extract %reduce_sum3A_95[15] : i32 from vector<16xi32>
          %ge3A_97 = arith.constant 101 : i32
          %ge3A_98 = arith.cmpi sge, %reduce_sum3A_96, %ge3A_97 : i32
          %select_n3A_99 = arith.select %ge3A_98, %add3A_85, %while3A_82 : i32
          %select_n3A_100 = arith.select %ge3A_98, %while3A_83, %add3A_85 : i32
          scf.yield %select_n3A_99, %select_n3A_100 : i32, i32
        }
        %xor3A = arith.constant -2147483648 : i32
        %xor3A_58 = arith.xori %while3A_57#0, %xor3A : i32
        %broadcast_in_dim3A_59 = vector.broadcast %xor3A_58 : i32 to vector<16xi32>
        %bitcast3A = vector.bitcast %broadcast_in_dim3A_59 : vector<16xi32> to vector<16xi32>
        %lt3A = arith.constant 0 : i32
        %lt3A_60 = vector.broadcast %lt3A : i32 to vector<16xi32>
        %lt3A_61 = arith.cmpi slt, %bitcast3A, %lt3A_60 : vector<16xi32>
        %not3A = arith.constant dense<-1> : vector<16xi32>
        %not3A_62 = arith.xori %bitcast3A, %not3A : vector<16xi32>
        %select_n3A_63 = arith.select %lt3A_61, %not3A_62, %bitcast3A : vector<16xi1>, vector<16xi32>
        %bitcast3A_64 = vector.bitcast %select_n3A_63 : vector<16xi32> to vector<16xf32>
        %reduce_max3A = arith.constant true
        %reduce_max3A_65 = vector.broadcast %reduce_max3A : i1 to vector<16xi1>
        %reduce_max3A_66 = tpu.scan <max>, %bitcast3A_64 masked %reduce_max3A_65 : vector<16xf32>, vector<16xi1> -> vector<16xf32>
        %reduce_max3A_67 = vector.extract %reduce_max3A_66[15] : f32 from vector<16xf32>
        %broadcast_in_dim3A_68 = vector.broadcast %reduce_max3A_67 : f32 to vector<16xf32>
        %scan3A_69 = arith.constant 0 : i32
        %scan3A_70 = arith.constant 6250 : i32
        %scan3A_71 = arith.addi %scan3A_69, %scan3A_70 : i32
        %scan3A_72 = arith.constant 1 : i32
        %scan3A_73:2 = scf.for %scan3A_82 = %scan3A_69 to %scan3A_71 step %scan3A_72 iter_args(%scan3A_83 = %broadcast_in_dim3A_5, %scan3A_84 = %broadcast_in_dim3A_5) -> (vector<16xf32>, vector<16xf32>)  : i32 {
          %mul3A_85 = arith.constant 16 : i32
          %mul3A_86 = arith.muli %scan3A_82, %mul3A_85 : i32
          %get3A_87 = arith.index_cast %mul3A_86 : i32 to index
          %get3A_88 = tpu.vector_load %arg6[%get3A_87] {strides = array<i32>} : memref<100000xf32, #tpu.memory_space<vmem>>, vector<16xf32>,
          %sub3A = arith.subf %get3A_88, %broadcast_in_dim3A_68 : vector<16xf32>
          %max3A = arith.constant 0.000000e+00 : f32
          %max3A_89 = vector.broadcast %max3A : f32 to vector<16xf32>
          %max3A_90 = arith.maximumf %sub3A, %max3A_89 : vector<16xf32>
          %add3A_91 = arith.addf %scan3A_83, %max3A_90 : vector<16xf32>
          %mul3A_92 = arith.mulf %max3A_90, %max3A_90 : vector<16xf32>
          %add3A_93 = arith.addf %scan3A_84, %mul3A_92 : vector<16xf32>
          scf.yield %add3A_91, %add3A_93 : vector<16xf32>, vector<16xf32>
        }
        %scan3A_74 = arith.constant 6250 : i32
        %reduce_sum3A = arith.constant true
        %reduce_sum3A_75 = vector.broadcast %reduce_sum3A : i1 to vector<16xi1>
        %reduce_sum3A_76 = tpu.scan <sum>, %scan3A_73#0 masked %reduce_sum3A_75 : vector<16xf32>, vector<16xi1> -> vector<16xf32>
        %reduce_sum3A_77 = vector.extract %reduce_sum3A_76[15] : f32 from vector<16xf32>
        %reduce_sum3A_78 = arith.constant true
        %reduce_sum3A_79 = vector.broadcast %reduce_sum3A_78 : i1 to vector<16xi1>
        %reduce_sum3A_80 = tpu.scan <sum>, %scan3A_73#1 masked %reduce_sum3A_79 : vector<16xf32>, vector<16xi1> -> vector<16xf32>
        %reduce_sum3A_81 = vector.extract %reduce_sum3A_80[15] : f32 from vector<16xf32>
        scf.yield %reduce_sum3A_77, %reduce_sum3A_81, %reduce_max3A_67 : f32, f32, f32
      }
      %and3A_43 = arith.constant 15 : i32
      %and3A_44 = arith.andi %scan3A_20, %and3A_43 : i32
      %broadcast_in_dim3A_45 = vector.broadcast %and3A_44 : i32 to vector<16xi32>
      %eq3A = arith.cmpi eq, %iota3A, %broadcast_in_dim3A_45 : vector<16xi32>
      %broadcast_in_dim3A_46 = vector.broadcast %cond3A_42#0 : f32 to vector<16xf32>
      %select_n3A = arith.select %eq3A, %broadcast_in_dim3A_46, %scan3A_21 : vector<16xi1>, vector<16xf32>
      %broadcast_in_dim3A_47 = vector.broadcast %cond3A_42#1 : f32 to vector<16xf32>
      %select_n3A_48 = arith.select %eq3A, %broadcast_in_dim3A_47, %scan3A_22 : vector<16xi1>, vector<16xf32>
      %broadcast_in_dim3A_49 = vector.broadcast %cond3A_42#2 : f32 to vector<16xf32>
      %select_n3A_50 = arith.select %eq3A, %broadcast_in_dim3A_49, %scan3A_23 : vector<16xi1>, vector<16xf32>
      %eq3A_51 = arith.constant 15 : i32
      %eq3A_52 = arith.cmpi eq, %and3A_44, %eq3A_51 : i32
      %convert_element_type3A_53 = arith.extui %eq3A_52 : i1 to i32
      %cond3A_54 = arith.constant 0 : i32
      %cond3A_55 = arith.cmpi ne, %convert_element_type3A_53, %cond3A_54 : i32
      scf.if %cond3A_55 {
        %sub3A = arith.constant 15 : i32
        %sub3A_56 = arith.subi %scan3A_20, %sub3A : i32
        %swap3A_57 = arith.index_cast %sub3A_56 : i32 to index
        %swap3A_58 = tpu.vector_load %arg9[%swap3A_57] {strides = array<i32>} : memref<32xf32, #tpu.memory_space<vmem>>, vector<16xf32>,
        tpu.vector_store %arg9[%swap3A_57], %select_n3A {strides = array<i32>} : memref<32xf32, #tpu.memory_space<vmem>>, vector<16xf32>,
        %swap3A_59 = arith.index_cast %sub3A_56 : i32 to index
        %swap3A_60 = tpu.vector_load %arg10[%swap3A_59] {strides = array<i32>} : memref<32xf32, #tpu.memory_space<vmem>>, vector<16xf32>,
        tpu.vector_store %arg10[%swap3A_59], %select_n3A_48 {strides = array<i32>} : memref<32xf32, #tpu.memory_space<vmem>>, vector<16xf32>,
        %swap3A_61 = arith.index_cast %sub3A_56 : i32 to index
        %swap3A_62 = tpu.vector_load %arg11[%swap3A_61] {strides = array<i32>} : memref<32xf32, #tpu.memory_space<vmem>>, vector<16xf32>,
        tpu.vector_store %arg11[%swap3A_61], %select_n3A_50 {strides = array<i32>} : memref<32xf32, #tpu.memory_space<vmem>>, vector<16xf32>,
      } else {
      }
      scf.yield %select_n3A, %select_n3A_48, %select_n3A_50 : vector<16xf32>, vector<16xf32>, vector<16xf32>
    }
    %scan3A_14 = arith.constant 24 : i32
    %swap3A = arith.constant 16 : index
    %swap3A_15 = tpu.vector_load %arg9[%swap3A] {strides = array<i32>} : memref<32xf32, #tpu.memory_space<vmem>>, vector<16xf32>,
    tpu.vector_store %arg9[%swap3A], %scan3A_13#0 {strides = array<i32>} : memref<32xf32, #tpu.memory_space<vmem>>, vector<16xf32>,
    %swap3A_16 = arith.constant 16 : index
    %swap3A_17 = tpu.vector_load %arg10[%swap3A_16] {strides = array<i32>} : memref<32xf32, #tpu.memory_space<vmem>>, vector<16xf32>,
    tpu.vector_store %arg10[%swap3A_16], %scan3A_13#1 {strides = array<i32>} : memref<32xf32, #tpu.memory_space<vmem>>, vector<16xf32>,
    %swap3A_18 = arith.constant 16 : index
    %swap3A_19 = tpu.vector_load %arg11[%swap3A_18] {strides = array<i32>} : memref<32xf32, #tpu.memory_space<vmem>>, vector<16xf32>,
    tpu.vector_store %arg11[%swap3A_18], %scan3A_13#2 {strides = array<i32>} : memref<32xf32, #tpu.memory_space<vmem>>, vector<16xf32>,
    "tpu.region"() ({
      %run_scoped3A = tpu.sem_alloc : memref<!tpu.dma_semaphore, #tpu.memory_space<semaphore_mem>>
      %dma_start3A = arith.constant 0 : i32
      %dma_start3A_20 = tpu.memref_slice %arg9[%dma_start3A] : memref<32xf32, #tpu.memory_space<vmem>> -> memref<24xf32, #tpu.memory_space<vmem>>
      %dma_start3A_21 = tpu.memref_slice %arg3[%mul3A_2] : memref<768xf32, #tpu.memory_space<hbm>> -> memref<24xf32, #tpu.memory_space<hbm>>
      %dma_start3A_22 = tpu.memref_slice %arg3[%mul3A_2] : memref<768xf32, #tpu.memory_space<hbm>> -> memref<24xf32, #tpu.memory_space<hbm>>
      %dma_start3A_23 = arith.constant 0 : i32
      %dma_start3A_24 = tpu.memref_slice %arg9[%dma_start3A_23] : memref<32xf32, #tpu.memory_space<vmem>> -> memref<24xf32, #tpu.memory_space<vmem>>
      tpu.enqueue_dma source(%dma_start3A_24 : memref<24xf32, #tpu.memory_space<vmem>>) target(%dma_start3A_22 : memref<24xf32, #tpu.memory_space<hbm>>) target_semaphore(%run_scoped3A : memref<!tpu.dma_semaphore, #tpu.memory_space<semaphore_mem>>)
      %dma_wait3A = arith.constant 0 : i32
      %dma_wait3A_25 = tpu.memref_slice %arg9[%dma_wait3A] : memref<32xf32, #tpu.memory_space<vmem>> -> memref<24xf32, #tpu.memory_space<vmem>>
      %dma_wait3A_26 = tpu.memref_slice %arg3[%mul3A_2] : memref<768xf32, #tpu.memory_space<hbm>> -> memref<24xf32, #tpu.memory_space<hbm>>
      %dma_wait3A_27 = tpu.memref_slice %arg3[%mul3A_2] : memref<768xf32, #tpu.memory_space<hbm>> -> memref<24xf32, #tpu.memory_space<hbm>>
      %dma_wait3A_28 = arith.constant 0 : i32
      %dma_wait3A_29 = tpu.memref_slice %arg9[%dma_wait3A_28] : memref<32xf32, #tpu.memory_space<vmem>> -> memref<24xf32, #tpu.memory_space<vmem>>
      tpu.wait_dma2 semaphore(%run_scoped3A : memref<!tpu.dma_semaphore, #tpu.memory_space<semaphore_mem>>) src(%dma_wait3A_29 : memref<24xf32, #tpu.memory_space<vmem>>) dst(%dma_wait3A_27 : memref<24xf32, #tpu.memory_space<hbm>>)
      tpu.yield
    }) : () -> ()
    "tpu.region"() ({
      %run_scoped3A = tpu.sem_alloc : memref<!tpu.dma_semaphore, #tpu.memory_space<semaphore_mem>>
      %dma_start3A = arith.constant 0 : i32
      %dma_start3A_20 = tpu.memref_slice %arg10[%dma_start3A] : memref<32xf32, #tpu.memory_space<vmem>> -> memref<24xf32, #tpu.memory_space<vmem>>
      %dma_start3A_21 = tpu.memref_slice %arg4[%mul3A_2] : memref<768xf32, #tpu.memory_space<hbm>> -> memref<24xf32, #tpu.memory_space<hbm>>
      %dma_start3A_22 = tpu.memref_slice %arg4[%mul3A_2] : memref<768xf32, #tpu.memory_space<hbm>> -> memref<24xf32, #tpu.memory_space<hbm>>
      %dma_start3A_23 = arith.constant 0 : i32
      %dma_start3A_24 = tpu.memref_slice %arg10[%dma_start3A_23] : memref<32xf32, #tpu.memory_space<vmem>> -> memref<24xf32, #tpu.memory_space<vmem>>
      tpu.enqueue_dma source(%dma_start3A_24 : memref<24xf32, #tpu.memory_space<vmem>>) target(%dma_start3A_22 : memref<24xf32, #tpu.memory_space<hbm>>) target_semaphore(%run_scoped3A : memref<!tpu.dma_semaphore, #tpu.memory_space<semaphore_mem>>)
      %dma_wait3A = arith.constant 0 : i32
      %dma_wait3A_25 = tpu.memref_slice %arg10[%dma_wait3A] : memref<32xf32, #tpu.memory_space<vmem>> -> memref<24xf32, #tpu.memory_space<vmem>>
      %dma_wait3A_26 = tpu.memref_slice %arg4[%mul3A_2] : memref<768xf32, #tpu.memory_space<hbm>> -> memref<24xf32, #tpu.memory_space<hbm>>
      %dma_wait3A_27 = tpu.memref_slice %arg4[%mul3A_2] : memref<768xf32, #tpu.memory_space<hbm>> -> memref<24xf32, #tpu.memory_space<hbm>>
      %dma_wait3A_28 = arith.constant 0 : i32
      %dma_wait3A_29 = tpu.memref_slice %arg10[%dma_wait3A_28] : memref<32xf32, #tpu.memory_space<vmem>> -> memref<24xf32, #tpu.memory_space<vmem>>
      tpu.wait_dma2 semaphore(%run_scoped3A : memref<!tpu.dma_semaphore, #tpu.memory_space<semaphore_mem>>) src(%dma_wait3A_29 : memref<24xf32, #tpu.memory_space<vmem>>) dst(%dma_wait3A_27 : memref<24xf32, #tpu.memory_space<hbm>>)
      tpu.yield
    }) : () -> ()
    "tpu.region"() ({
      %run_scoped3A = tpu.sem_alloc : memref<!tpu.dma_semaphore, #tpu.memory_space<semaphore_mem>>
      %dma_start3A = arith.constant 0 : i32
      %dma_start3A_20 = tpu.memref_slice %arg11[%dma_start3A] : memref<32xf32, #tpu.memory_space<vmem>> -> memref<24xf32, #tpu.memory_space<vmem>>
      %dma_start3A_21 = tpu.memref_slice %arg5[%mul3A_2] : memref<768xf32, #tpu.memory_space<hbm>> -> memref<24xf32, #tpu.memory_space<hbm>>
      %dma_start3A_22 = tpu.memref_slice %arg5[%mul3A_2] : memref<768xf32, #tpu.memory_space<hbm>> -> memref<24xf32, #tpu.memory_space<hbm>>
      %dma_start3A_23 = arith.constant 0 : i32
      %dma_start3A_24 = tpu.memref_slice %arg11[%dma_start3A_23] : memref<32xf32, #tpu.memory_space<vmem>> -> memref<24xf32, #tpu.memory_space<vmem>>
      tpu.enqueue_dma source(%dma_start3A_24 : memref<24xf32, #tpu.memory_space<vmem>>) target(%dma_start3A_22 : memref<24xf32, #tpu.memory_space<hbm>>) target_semaphore(%run_scoped3A : memref<!tpu.dma_semaphore, #tpu.memory_space<semaphore_mem>>)
      %dma_wait3A = arith.constant 0 : i32
      %dma_wait3A_25 = tpu.memref_slice %arg11[%dma_wait3A] : memref<32xf32, #tpu.memory_space<vmem>> -> memref<24xf32, #tpu.memory_space<vmem>>
      %dma_wait3A_26 = tpu.memref_slice %arg5[%mul3A_2] : memref<768xf32, #tpu.memory_space<hbm>> -> memref<24xf32, #tpu.memory_space<hbm>>
      %dma_wait3A_27 = tpu.memref_slice %arg5[%mul3A_2] : memref<768xf32, #tpu.memory_space<hbm>> -> memref<24xf32, #tpu.memory_space<hbm>>
      %dma_wait3A_28 = arith.constant 0 : i32
      %dma_wait3A_29 = tpu.memref_slice %arg11[%dma_wait3A_28] : memref<32xf32, #tpu.memory_space<vmem>> -> memref<24xf32, #tpu.memory_space<vmem>>
      tpu.wait_dma2 semaphore(%run_scoped3A : memref<!tpu.dma_semaphore, #tpu.memory_space<semaphore_mem>>) src(%dma_wait3A_29 : memref<24xf32, #tpu.memory_space<vmem>>) dst(%dma_wait3A_27 : memref<24xf32, #tpu.memory_space<hbm>>)
      tpu.yield
    }) : () -> ()
    return
  }
}

module attributes {stable_mosaic.version = 14 : i64} {
  func.func @_tc_stats_body(%arg0: i32, %arg1: memref<16x100000xf32, #tpu.memory_space<vmem>>, %arg2: memref<16x1xf32, #tpu.memory_space<vmem>>, %arg3: memref<16x1xf32, #tpu.memory_space<vmem>>, %arg4: memref<16x1xf32, #tpu.memory_space<vmem>>) attributes {dimension_semantics = [#tpu.dimension_semantics<arbitrary>], iteration_bounds = array<i64: 80>, scalar_prefetch = 0 : i64, scratch_operands = 0 : i64, tpu.core_type = #tpu.core_type<tc>, window_params = [{transform_indices = @transform_0, window_bounds = array<i64: 16, 100000>}, {transform_indices = @transform_1, window_bounds = array<i64: 16, 1>}, {transform_indices = @transform_2, window_bounds = array<i64: 16, 1>}, {transform_indices = @transform_3, window_bounds = array<i64: 16, 1>}]} {
    %get3A = arith.constant 0 : index
    %get3A_0 = arith.constant 0 : index
    %get3A_1 = vector.load %arg1[%get3A, %get3A_0] : memref<16x100000xf32, #tpu.memory_space<vmem>>, vector<16x100000xf32>
    %bitcast_convert_type3A = tpu.bitcast %get3A_1 : vector<16x100000xf32> -> vector<16x100000xi32>
    %ge3A = arith.constant 1065311273 : i32
    %ge3A_2 = vector.broadcast %ge3A : i32 to vector<16x100000xi32>
    %ge3A_3 = arith.cmpi sge, %bitcast_convert_type3A, %ge3A_2 : vector<16x100000xi32>
    %convert_element_type3A = arith.extui %ge3A_3 : vector<16x100000xi1> to vector<16x100000xi32>
    %reduce_sum3A = arith.constant dense<0> : vector<16xi32>
    %reduce_sum3A_4 = vector.multi_reduction <add>, %convert_element_type3A, %reduce_sum3A [1] : vector<16x100000xi32> to vector<16xi32>
    %broadcast_in_dim3A = vector.shape_cast %reduce_sum3A_4 : vector<16xi32> to vector<16x1xi32>
    %ge3A_5 = arith.constant 101 : i32
    %ge3A_6 = vector.broadcast %ge3A_5 : i32 to vector<16x1xi32>
    %ge3A_7 = arith.cmpi sge, %broadcast_in_dim3A, %ge3A_6 : vector<16x1xi32>
    %jit3A = arith.constant 1065311273 : i32
    %jit3A_8 = arith.constant 0 : i32
    %broadcast_in_dim3A_9 = vector.broadcast %jit3A : i32 to vector<16x1xi32>
    %broadcast_in_dim3A_10 = vector.broadcast %jit3A_8 : i32 to vector<16x1xi32>
    %select_n3A = arith.select %ge3A_7, %broadcast_in_dim3A_9, %broadcast_in_dim3A_10 : vector<16x1xi1>, vector<16x1xi32>
    %jit3A_11 = arith.constant 1065353217 : i32
    %jit3A_12 = arith.constant 1065311273 : i32
    %broadcast_in_dim3A_13 = vector.broadcast %jit3A_11 : i32 to vector<16x1xi32>
    %broadcast_in_dim3A_14 = vector.broadcast %jit3A_12 : i32 to vector<16x1xi32>
    %select_n3A_15 = arith.select %ge3A_7, %broadcast_in_dim3A_13, %broadcast_in_dim3A_14 : vector<16x1xi1>, vector<16x1xi32>
    %while3A:2 = scf.while (%while3A_34 = %select_n3A, %while3A_35 = %select_n3A_15) : (vector<16x1xi32>, vector<16x1xi32>) -> (vector<16x1xi32>, vector<16x1xi32>) {
      %sub3A_36 = arith.subi %while3A_35, %while3A_34 : vector<16x1xi32>
      %gt3A = arith.constant 1 : i32
      %gt3A_37 = vector.broadcast %gt3A : i32 to vector<16x1xi32>
      %gt3A_38 = arith.cmpi sgt, %sub3A_36, %gt3A_37 : vector<16x1xi32>
      %reduce_or3A = arith.constant 1.000000e+00 : f32
      %reduce_or3A_39 = arith.constant 0.000000e+00 : f32
      %reduce_or3A_40 = vector.broadcast %reduce_or3A : f32 to vector<16x1xf32>
      %reduce_or3A_41 = vector.broadcast %reduce_or3A_39 : f32 to vector<16x1xf32>
      %reduce_or3A_42 = arith.select %gt3A_38, %reduce_or3A_40, %reduce_or3A_41 : vector<16x1xi1>, vector<16x1xf32>
      %reduce_or3A_43 = vector.shape_cast %reduce_or3A_42 : vector<16x1xf32> to vector<1x16x1xf32>
      %reduce_or3A_44 = arith.constant dense<0xFF800000> : vector<1xf32>
      %reduce_or3A_45 = vector.multi_reduction <maximumf>, %reduce_or3A_43, %reduce_or3A_44 [1, 2] : vector<1x16x1xf32> to vector<1xf32>
      %reduce_or3A_46 = vector.shape_cast %reduce_or3A_45 : vector<1xf32> to vector<1x1x1xf32>
      %reduce_or3A_47 = vector.extract %reduce_or3A_46[0, 0, 0] : f32 from vector<1x1x1xf32>
      %reduce_or3A_48 = arith.constant 0.000000e+00 : f32
      %reduce_or3A_49 = arith.cmpf ogt, %reduce_or3A_47, %reduce_or3A_48 : f32
      scf.condition(%reduce_or3A_49) %while3A_34, %while3A_35 : vector<16x1xi32>, vector<16x1xi32>
    } do {
    ^bb0(%while3A_34: vector<16x1xi32>, %while3A_35: vector<16x1xi32>):
      %add3A = arith.addi %while3A_34, %while3A_35 : vector<16x1xi32>
      %shift_right_arithmetic3A = arith.constant 1 : i32
      %shift_right_arithmetic3A_36 = vector.broadcast %shift_right_arithmetic3A : i32 to vector<16x1xi32>
      %shift_right_arithmetic3A_37 = arith.shrsi %add3A, %shift_right_arithmetic3A_36 : vector<16x1xi32>
      %ge3A_38 = vector.broadcast %shift_right_arithmetic3A_37 : vector<16x1xi32> to vector<16x100000xi32>
      %ge3A_39 = arith.cmpi sge, %bitcast_convert_type3A, %ge3A_38 : vector<16x100000xi32>
      %convert_element_type3A_40 = arith.extui %ge3A_39 : vector<16x100000xi1> to vector<16x100000xi32>
      %reduce_sum3A_41 = arith.constant dense<0> : vector<16xi32>
      %reduce_sum3A_42 = vector.multi_reduction <add>, %convert_element_type3A_40, %reduce_sum3A_41 [1] : vector<16x100000xi32> to vector<16xi32>
      %broadcast_in_dim3A_43 = vector.shape_cast %reduce_sum3A_42 : vector<16xi32> to vector<16x1xi32>
      %ge3A_44 = arith.constant 101 : i32
      %ge3A_45 = vector.broadcast %ge3A_44 : i32 to vector<16x1xi32>
      %ge3A_46 = arith.cmpi sge, %broadcast_in_dim3A_43, %ge3A_45 : vector<16x1xi32>
      %select_n3A_47 = arith.select %ge3A_46, %shift_right_arithmetic3A_37, %while3A_34 : vector<16x1xi1>, vector<16x1xi32>
      %select_n3A_48 = arith.select %ge3A_46, %while3A_35, %shift_right_arithmetic3A_37 : vector<16x1xi1>, vector<16x1xi32>
      scf.yield %select_n3A_47, %select_n3A_48 : vector<16x1xi32>, vector<16x1xi32>
    }
    %bitcast_convert_type3A_16 = tpu.bitcast %while3A#0 : vector<16x1xi32> -> vector<16x1xf32>
    %sub3A = vector.broadcast %bitcast_convert_type3A_16 : vector<16x1xf32> to vector<16x100000xf32>
    %sub3A_17 = arith.subf %get3A_1, %sub3A : vector<16x100000xf32>
    %max3A = arith.constant 0.000000e+00 : f32
    %max3A_18 = vector.broadcast %max3A : f32 to vector<16x100000xf32>
    %max3A_19 = arith.maximumf %sub3A_17, %max3A_18 : vector<16x100000xf32>
    %reduce_sum3A_20 = arith.constant dense<0.000000e+00> : vector<16xf32>
    %reduce_sum3A_21 = vector.multi_reduction <add>, %max3A_19, %reduce_sum3A_20 [1] : vector<16x100000xf32> to vector<16xf32>
    %broadcast_in_dim3A_22 = vector.shape_cast %reduce_sum3A_21 : vector<16xf32> to vector<16x1xf32>
    %swap3A = arith.constant 0 : index
    %swap3A_23 = arith.constant 0 : index
    %swap3A_24 = vector.load %arg2[%swap3A, %swap3A_23] : memref<16x1xf32, #tpu.memory_space<vmem>>, vector<16x1xf32>
    tpu.vector_store %arg2[%swap3A, %swap3A_23], %broadcast_in_dim3A_22 {strides = array<i32>} : memref<16x1xf32, #tpu.memory_space<vmem>>, vector<16x1xf32>,
    %mul3A = arith.mulf %max3A_19, %max3A_19 : vector<16x100000xf32>
    %reduce_sum3A_25 = arith.constant dense<0.000000e+00> : vector<16xf32>
    %reduce_sum3A_26 = vector.multi_reduction <add>, %mul3A, %reduce_sum3A_25 [1] : vector<16x100000xf32> to vector<16xf32>
    %broadcast_in_dim3A_27 = vector.shape_cast %reduce_sum3A_26 : vector<16xf32> to vector<16x1xf32>
    %swap3A_28 = arith.constant 0 : index
    %swap3A_29 = arith.constant 0 : index
    %swap3A_30 = vector.load %arg3[%swap3A_28, %swap3A_29] : memref<16x1xf32, #tpu.memory_space<vmem>>, vector<16x1xf32>
    tpu.vector_store %arg3[%swap3A_28, %swap3A_29], %broadcast_in_dim3A_27 {strides = array<i32>} : memref<16x1xf32, #tpu.memory_space<vmem>>, vector<16x1xf32>,
    %swap3A_31 = arith.constant 0 : index
    %swap3A_32 = arith.constant 0 : index
    %swap3A_33 = vector.load %arg4[%swap3A_31, %swap3A_32] : memref<16x1xf32, #tpu.memory_space<vmem>>, vector<16x1xf32>
    tpu.vector_store %arg4[%swap3A_31, %swap3A_32], %bitcast_convert_type3A_16 {strides = array<i32>} : memref<16x1xf32, #tpu.memory_space<vmem>>, vector<16x1xf32>,
    return
  }
  func.func @transform_0(%arg0: i32) -> (i32, i32) {
    %add3A = arith.constant 48 : i32
    %add3A_0 = arith.addi %arg0, %add3A : i32
    %c0_i32 = arith.constant 0 : i32
    %c0_i32_1 = arith.constant 0 : i32
    return %add3A_0, %c0_i32 : i32, i32
  }
  func.func @transform_1(%arg0: i32) -> (i32, i32) {
    %c0_i32 = arith.constant 0 : i32
    %c0_i32_0 = arith.constant 0 : i32
    return %arg0, %c0_i32 : i32, i32
  }
  func.func @transform_2(%arg0: i32) -> (i32, i32) {
    %c0_i32 = arith.constant 0 : i32
    %c0_i32_0 = arith.constant 0 : i32
    return %arg0, %c0_i32 : i32, i32
  }
  func.func @transform_3(%arg0: i32) -> (i32, i32) {
    %c0_i32 = arith.constant 0 : i32
    %c0_i32_0 = arith.constant 0 : i32
    return %arg0, %c0_i32 : i32, i32
  }
}

module attributes {stable_mosaic.version = 14 : i64} {
  func.func @_loss_body(%arg0: memref<1024x128xf32, #tpu.memory_space<vmem>>, %arg1: memref<1024x128xf32, #tpu.memory_space<vmem>>, %arg2: memref<1024x1xf32, #tpu.memory_space<vmem>>, %arg3: memref<1024x1xf32, #tpu.memory_space<vmem>>, %arg4: memref<1024x1xf32, #tpu.memory_space<vmem>>, %arg5: memref<1024x1xf32, #tpu.memory_space<vmem>>, %arg6: memref<1024x1xf32, #tpu.memory_space<vmem>>, %arg7: memref<1024x1xf32, #tpu.memory_space<vmem>>, %arg8: memref<1x6xf32, #tpu.memory_space<smem>>, %arg9: memref<1x1xf32, #tpu.memory_space<smem>>) attributes {dimension_semantics = [], scalar_prefetch = 0 : i64, scratch_operands = 0 : i64, tpu.core_type = #tpu.core_type<tc>} {
    %get3A = arith.constant 0 : index
    %get3A_0 = arith.constant 0 : index
    %get3A_1 = memref.load %arg8[%get3A, %get3A_0] : memref<1x6xf32, #tpu.memory_space<smem>>
    %get3A_2 = arith.constant 0 : index
    %get3A_3 = arith.constant 1 : index
    %get3A_4 = memref.load %arg8[%get3A_2, %get3A_3] : memref<1x6xf32, #tpu.memory_space<smem>>
    %get3A_5 = arith.constant 0 : index
    %get3A_6 = arith.constant 2 : index
    %get3A_7 = memref.load %arg8[%get3A_5, %get3A_6] : memref<1x6xf32, #tpu.memory_space<smem>>
    %get3A_8 = arith.constant 0 : index
    %get3A_9 = arith.constant 3 : index
    %get3A_10 = memref.load %arg8[%get3A_8, %get3A_9] : memref<1x6xf32, #tpu.memory_space<smem>>
    %get3A_11 = arith.constant 0 : index
    %get3A_12 = arith.constant 4 : index
    %get3A_13 = memref.load %arg8[%get3A_11, %get3A_12] : memref<1x6xf32, #tpu.memory_space<smem>>
    %get3A_14 = arith.constant 0 : index
    %get3A_15 = arith.constant 5 : index
    %get3A_16 = memref.load %arg8[%get3A_14, %get3A_15] : memref<1x6xf32, #tpu.memory_space<smem>>
    %get3A_17 = arith.constant 0 : index
    %get3A_18 = arith.constant 0 : index
    %get3A_19 = vector.load %arg0[%get3A_17, %get3A_18] : memref<1024x128xf32, #tpu.memory_space<vmem>>, vector<1024x128xf32>
    %get3A_20 = arith.constant 0 : index
    %get3A_21 = arith.constant 0 : index
    %get3A_22 = vector.load %arg1[%get3A_20, %get3A_21] : memref<1024x128xf32, #tpu.memory_space<vmem>>, vector<1024x128xf32>
    %mul3A = arith.mulf %get3A_19, %get3A_19 : vector<1024x128xf32>
    %reduce_sum3A = arith.constant dense<0.000000e+00> : vector<1024xf32>
    %reduce_sum3A_23 = vector.multi_reduction <add>, %mul3A, %reduce_sum3A [1] : vector<1024x128xf32> to vector<1024xf32>
    %broadcast_in_dim3A = vector.shape_cast %reduce_sum3A_23 : vector<1024xf32> to vector<1024x1xf32>
    %sqrt3A = math.sqrt %broadcast_in_dim3A : vector<1024x1xf32>
    %max3A = arith.constant 9.99999993E-9 : f32
    %max3A_24 = vector.broadcast %max3A : f32 to vector<1024x1xf32>
    %max3A_25 = arith.maximumf %sqrt3A, %max3A_24 : vector<1024x1xf32>
    %mul3A_26 = arith.mulf %get3A_22, %get3A_22 : vector<1024x128xf32>
    %reduce_sum3A_27 = arith.constant dense<0.000000e+00> : vector<1024xf32>
    %reduce_sum3A_28 = vector.multi_reduction <add>, %mul3A_26, %reduce_sum3A_27 [1] : vector<1024x128xf32> to vector<1024xf32>
    %broadcast_in_dim3A_29 = vector.shape_cast %reduce_sum3A_28 : vector<1024xf32> to vector<1024x1xf32>
    %sqrt3A_30 = math.sqrt %broadcast_in_dim3A_29 : vector<1024x1xf32>
    %max3A_31 = arith.constant 9.99999993E-9 : f32
    %max3A_32 = vector.broadcast %max3A_31 : f32 to vector<1024x1xf32>
    %max3A_33 = arith.maximumf %sqrt3A_30, %max3A_32 : vector<1024x1xf32>
    %dot_general3A = arith.constant dense<0.000000e+00> : vector<1024x1024xf32>
    %dot_general3A_34 = tpu.matmul %get3A_19, %get3A_22, %dot_general3A {dimension_numbers = #tpu.dot_dimension_numbers<[1], [1], [0], [0], [0, 0, 1, 0], [], []>, transpose_lhs_hint = false} : vector<1024x128xf32>, vector<1024x128xf32>, vector<1024x1024xf32> -> vector<1024x1024xf32>
    %transpose3A = tpu.transpose %max3A_33, [1, 0] : vector<1024x1xf32> -> vector<1x1024xf32>
    %mul3A_35 = vector.broadcast %max3A_25 : vector<1024x1xf32> to vector<1024x1024xf32>
    %mul3A_36 = vector.broadcast %transpose3A : vector<1x1024xf32> to vector<1024x1024xf32>
    %mul3A_37 = arith.mulf %mul3A_35, %mul3A_36 : vector<1024x1024xf32>
    %div3A = arith.divf %dot_general3A_34, %mul3A_37 : vector<1024x1024xf32>
    %get3A_38 = arith.constant 0 : index
    %get3A_39 = arith.constant 0 : index
    %get3A_40 = vector.load %arg7[%get3A_38, %get3A_39] : memref<1024x1xf32, #tpu.memory_space<vmem>>, vector<1024x1xf32>
    %get3A_41 = arith.constant 0 : index
    %get3A_42 = arith.constant 0 : index
    %get3A_43 = vector.load %arg5[%get3A_41, %get3A_42] : memref<1024x1xf32, #tpu.memory_space<vmem>>, vector<1024x1xf32>
    %div3A_44 = arith.constant 1.010000e+02 : f32
    %div3A_45 = vector.broadcast %div3A_44 : f32 to vector<1024x1xf32>
    %div3A_46 = arith.divf %get3A_43, %div3A_45 : vector<1024x1xf32>
    %add3A = arith.addf %get3A_40, %div3A_46 : vector<1024x1xf32>
    %get3A_47 = arith.constant 0 : index
    %get3A_48 = arith.constant 0 : index
    %get3A_49 = vector.load %arg6[%get3A_47, %get3A_48] : memref<1024x1xf32, #tpu.memory_space<vmem>>, vector<1024x1xf32>
    %get3A_50 = arith.constant 0 : index
    %get3A_51 = arith.constant 0 : index
    %get3A_52 = vector.load %arg5[%get3A_50, %get3A_51] : memref<1024x1xf32, #tpu.memory_space<vmem>>, vector<1024x1xf32>
    %get3A_53 = arith.constant 0 : index
    %get3A_54 = arith.constant 0 : index
    %get3A_55 = vector.load %arg5[%get3A_53, %get3A_54] : memref<1024x1xf32, #tpu.memory_space<vmem>>, vector<1024x1xf32>
    %mul3A_56 = arith.mulf %get3A_52, %get3A_55 : vector<1024x1xf32>
    %div3A_57 = arith.constant 1.010000e+02 : f32
    %div3A_58 = vector.broadcast %div3A_57 : f32 to vector<1024x1xf32>
    %div3A_59 = arith.divf %mul3A_56, %div3A_58 : vector<1024x1xf32>
    %sub3A = arith.subf %get3A_49, %div3A_59 : vector<1024x1xf32>
    %max3A_60 = arith.constant 0.000000e+00 : f32
    %max3A_61 = vector.broadcast %max3A_60 : f32 to vector<1024x1xf32>
    %max3A_62 = arith.maximumf %sub3A, %max3A_61 : vector<1024x1xf32>
    %div3A_63 = arith.constant 1.000000e+02 : f32
    %div3A_64 = vector.broadcast %div3A_63 : f32 to vector<1024x1xf32>
    %div3A_65 = arith.divf %max3A_62, %div3A_64 : vector<1024x1xf32>
    %sqrt3A_66 = math.sqrt %div3A_65 : vector<1024x1xf32>
    %get3A_67 = arith.constant 0 : index
    %get3A_68 = arith.constant 0 : index
    %get3A_69 = vector.load %arg4[%get3A_67, %get3A_68] : memref<1024x1xf32, #tpu.memory_space<vmem>>, vector<1024x1xf32>
    %get3A_70 = arith.constant 0 : index
    %get3A_71 = arith.constant 0 : index
    %get3A_72 = vector.load %arg2[%get3A_70, %get3A_71] : memref<1024x1xf32, #tpu.memory_space<vmem>>, vector<1024x1xf32>
    %div3A_73 = arith.constant 1.010000e+02 : f32
    %div3A_74 = vector.broadcast %div3A_73 : f32 to vector<1024x1xf32>
    %div3A_75 = arith.divf %get3A_72, %div3A_74 : vector<1024x1xf32>
    %add3A_76 = arith.addf %get3A_69, %div3A_75 : vector<1024x1xf32>
    %get3A_77 = arith.constant 0 : index
    %get3A_78 = arith.constant 0 : index
    %get3A_79 = vector.load %arg3[%get3A_77, %get3A_78] : memref<1024x1xf32, #tpu.memory_space<vmem>>, vector<1024x1xf32>
    %get3A_80 = arith.constant 0 : index
    %get3A_81 = arith.constant 0 : index
    %get3A_82 = vector.load %arg2[%get3A_80, %get3A_81] : memref<1024x1xf32, #tpu.memory_space<vmem>>, vector<1024x1xf32>
    %get3A_83 = arith.constant 0 : index
    %get3A_84 = arith.constant 0 : index
    %get3A_85 = vector.load %arg2[%get3A_83, %get3A_84] : memref<1024x1xf32, #tpu.memory_space<vmem>>, vector<1024x1xf32>
    %mul3A_86 = arith.mulf %get3A_82, %get3A_85 : vector<1024x1xf32>
    %div3A_87 = arith.constant 1.010000e+02 : f32
    %div3A_88 = vector.broadcast %div3A_87 : f32 to vector<1024x1xf32>
    %div3A_89 = arith.divf %mul3A_86, %div3A_88 : vector<1024x1xf32>
    %sub3A_90 = arith.subf %get3A_79, %div3A_89 : vector<1024x1xf32>
    %max3A_91 = arith.constant 0.000000e+00 : f32
    %max3A_92 = vector.broadcast %max3A_91 : f32 to vector<1024x1xf32>
    %max3A_93 = arith.maximumf %sub3A_90, %max3A_92 : vector<1024x1xf32>
    %div3A_94 = arith.constant 1.000000e+02 : f32
    %div3A_95 = vector.broadcast %div3A_94 : f32 to vector<1024x1xf32>
    %div3A_96 = arith.divf %max3A_93, %div3A_95 : vector<1024x1xf32>
    %sqrt3A_97 = math.sqrt %div3A_96 : vector<1024x1xf32>
    %mul3A_98 = vector.broadcast %get3A_7 : f32 to vector<1024x1xf32>
    %mul3A_99 = arith.mulf %add3A, %mul3A_98 : vector<1024x1xf32>
    %add3A_100 = vector.broadcast %get3A_10 : f32 to vector<1024x1xf32>
    %add3A_101 = arith.addf %mul3A_99, %add3A_100 : vector<1024x1xf32>
    %add3A_102 = arith.constant 3.000000e+00 : f32
    %add3A_103 = vector.broadcast %add3A_102 : f32 to vector<1024x1xf32>
    %add3A_104 = arith.addf %add3A_101, %add3A_103 : vector<1024x1xf32>
    %div3A_105 = arith.constant 6.000000e+00 : f32
    %div3A_106 = vector.broadcast %div3A_105 : f32 to vector<1024x1xf32>
    %div3A_107 = arith.divf %add3A_104, %div3A_106 : vector<1024x1xf32>
    %jit3A = arith.constant 0.000000e+00 : f32
    %jit3A_108 = arith.constant 1.000000e+00 : f32
    %max3A_109 = vector.broadcast %jit3A : f32 to vector<1024x1xf32>
    %max3A_110 = arith.maximumf %max3A_109, %div3A_107 : vector<1024x1xf32>
    %min3A = vector.broadcast %jit3A_108 : f32 to vector<1024x1xf32>
    %min3A_111 = arith.minimumf %min3A, %max3A_110 : vector<1024x1xf32>
    %transpose3A_112 = tpu.transpose %min3A_111, [1, 0] : vector<1024x1xf32> -> vector<1x1024xf32>
    %mul3A_113 = vector.broadcast %get3A_13 : f32 to vector<1024x1xf32>
    %mul3A_114 = arith.mulf %sqrt3A_66, %mul3A_113 : vector<1024x1xf32>
    %add3A_115 = vector.broadcast %get3A_16 : f32 to vector<1024x1xf32>
    %add3A_116 = arith.addf %mul3A_114, %add3A_115 : vector<1024x1xf32>
    %add3A_117 = arith.constant 3.000000e+00 : f32
    %add3A_118 = vector.broadcast %add3A_117 : f32 to vector<1024x1xf32>
    %add3A_119 = arith.addf %add3A_116, %add3A_118 : vector<1024x1xf32>
    %div3A_120 = arith.constant 6.000000e+00 : f32
    %div3A_121 = vector.broadcast %div3A_120 : f32 to vector<1024x1xf32>
    %div3A_122 = arith.divf %add3A_119, %div3A_121 : vector<1024x1xf32>
    %jit3A_123 = arith.constant 0.000000e+00 : f32
    %jit3A_124 = arith.constant 1.000000e+00 : f32
    %max3A_125 = vector.broadcast %jit3A_123 : f32 to vector<1024x1xf32>
    %max3A_126 = arith.maximumf %max3A_125, %div3A_122 : vector<1024x1xf32>
    %min3A_127 = vector.broadcast %jit3A_124 : f32 to vector<1024x1xf32>
    %min3A_128 = arith.minimumf %min3A_127, %max3A_126 : vector<1024x1xf32>
    %transpose3A_129 = tpu.transpose %min3A_128, [1, 0] : vector<1024x1xf32> -> vector<1x1024xf32>
    %mul3A_130 = vector.broadcast %get3A_7 : f32 to vector<1024x1xf32>
    %mul3A_131 = arith.mulf %add3A_76, %mul3A_130 : vector<1024x1xf32>
    %add3A_132 = vector.broadcast %get3A_10 : f32 to vector<1024x1xf32>
    %add3A_133 = arith.addf %mul3A_131, %add3A_132 : vector<1024x1xf32>
    %add3A_134 = arith.constant 3.000000e+00 : f32
    %add3A_135 = vector.broadcast %add3A_134 : f32 to vector<1024x1xf32>
    %add3A_136 = arith.addf %add3A_133, %add3A_135 : vector<1024x1xf32>
    %div3A_137 = arith.constant 6.000000e+00 : f32
    %div3A_138 = vector.broadcast %div3A_137 : f32 to vector<1024x1xf32>
    %div3A_139 = arith.divf %add3A_136, %div3A_138 : vector<1024x1xf32>
    %jit3A_140 = arith.constant 0.000000e+00 : f32
    %jit3A_141 = arith.constant 1.000000e+00 : f32
    %max3A_142 = vector.broadcast %jit3A_140 : f32 to vector<1024x1xf32>
    %max3A_143 = arith.maximumf %max3A_142, %div3A_139 : vector<1024x1xf32>
    %min3A_144 = vector.broadcast %jit3A_141 : f32 to vector<1024x1xf32>
    %min3A_145 = arith.minimumf %min3A_144, %max3A_143 : vector<1024x1xf32>
    %mul3A_146 = vector.broadcast %get3A_13 : f32 to vector<1024x1xf32>
    %mul3A_147 = arith.mulf %sqrt3A_97, %mul3A_146 : vector<1024x1xf32>
    %add3A_148 = vector.broadcast %get3A_16 : f32 to vector<1024x1xf32>
    %add3A_149 = arith.addf %mul3A_147, %add3A_148 : vector<1024x1xf32>
    %add3A_150 = arith.constant 3.000000e+00 : f32
    %add3A_151 = vector.broadcast %add3A_150 : f32 to vector<1024x1xf32>
    %add3A_152 = arith.addf %add3A_149, %add3A_151 : vector<1024x1xf32>
    %div3A_153 = arith.constant 6.000000e+00 : f32
    %div3A_154 = vector.broadcast %div3A_153 : f32 to vector<1024x1xf32>
    %div3A_155 = arith.divf %add3A_152, %div3A_154 : vector<1024x1xf32>
    %jit3A_156 = arith.constant 0.000000e+00 : f32
    %jit3A_157 = arith.constant 1.000000e+00 : f32
    %max3A_158 = vector.broadcast %jit3A_156 : f32 to vector<1024x1xf32>
    %max3A_159 = arith.maximumf %max3A_158, %div3A_155 : vector<1024x1xf32>
    %min3A_160 = vector.broadcast %jit3A_157 : f32 to vector<1024x1xf32>
    %min3A_161 = arith.minimumf %min3A_160, %max3A_159 : vector<1024x1xf32>
    %sub3A_162 = vector.broadcast %transpose3A_112 : vector<1x1024xf32> to vector<1024x1024xf32>
    %sub3A_163 = arith.subf %div3A, %sub3A_162 : vector<1024x1024xf32>
    %div3A_164 = vector.broadcast %transpose3A_129 : vector<1x1024xf32> to vector<1024x1024xf32>
    %div3A_165 = arith.divf %sub3A_163, %div3A_164 : vector<1024x1024xf32>
    %sub3A_166 = vector.broadcast %min3A_145 : vector<1024x1xf32> to vector<1024x1024xf32>
    %sub3A_167 = arith.subf %div3A, %sub3A_166 : vector<1024x1024xf32>
    %div3A_168 = vector.broadcast %min3A_161 : vector<1024x1xf32> to vector<1024x1024xf32>
    %div3A_169 = arith.divf %sub3A_167, %div3A_168 : vector<1024x1024xf32>
    %add3A_170 = arith.addf %div3A_165, %div3A_169 : vector<1024x1024xf32>
    %mul3A_171 = arith.constant 5.000000e-01 : f32
    %mul3A_172 = vector.broadcast %mul3A_171 : f32 to vector<1024x1024xf32>
    %mul3A_173 = arith.mulf %mul3A_172, %add3A_170 : vector<1024x1024xf32>
    %mul3A_174 = vector.broadcast %get3A_1 : f32 to vector<1024x1024xf32>
    %mul3A_175 = arith.mulf %mul3A_173, %mul3A_174 : vector<1024x1024xf32>
    %add3A_176 = vector.broadcast %get3A_4 : f32 to vector<1024x1024xf32>
    %add3A_177 = arith.addf %mul3A_175, %add3A_176 : vector<1024x1024xf32>
    %reduce_max3A = arith.constant dense<0xFF800000> : vector<1024xf32>
    %reduce_max3A_178 = vector.multi_reduction <maximumf>, %add3A_177, %reduce_max3A [1] : vector<1024x1024xf32> to vector<1024xf32>
    %broadcast_in_dim3A_179 = vector.shape_cast %reduce_max3A_178 : vector<1024xf32> to vector<1024x1xf32>
    %sub3A_180 = vector.broadcast %broadcast_in_dim3A_179 : vector<1024x1xf32> to vector<1024x1024xf32>
    %sub3A_181 = arith.subf %add3A_177, %sub3A_180 : vector<1024x1024xf32>
    %exp3A = math.exp %sub3A_181 : vector<1024x1024xf32>
    %reduce_sum3A_182 = arith.constant dense<0.000000e+00> : vector<1024xf32>
    %reduce_sum3A_183 = vector.multi_reduction <add>, %exp3A, %reduce_sum3A_182 [1] : vector<1024x1024xf32> to vector<1024xf32>
    %broadcast_in_dim3A_184 = vector.shape_cast %reduce_sum3A_183 : vector<1024xf32> to vector<1024x1xf32>
    %log3A = math.log %broadcast_in_dim3A_184 : vector<1024x1xf32>
    %add3A_185 = arith.addf %log3A, %broadcast_in_dim3A_179 : vector<1024x1xf32>
    %iota3A = tpu.iota {dimensions = array<i32: 0>} : vector<1024x1024xi32>
    %iota3A_186 = tpu.iota {dimensions = array<i32: 1>} : vector<1024x1024xi32>
    %eq3A = arith.cmpi eq, %iota3A, %iota3A_186 : vector<1024x1024xi32>
    %jit3A_187 = arith.constant 0.000000e+00 : f32
    %broadcast_in_dim3A_188 = vector.broadcast %jit3A_187 : f32 to vector<1024x1024xf32>
    %select_n3A = arith.select %eq3A, %add3A_177, %broadcast_in_dim3A_188 : vector<1024x1024xi1>, vector<1024x1024xf32>
    %reduce_sum3A_189 = arith.constant dense<0.000000e+00> : vector<1024xf32>
    %reduce_sum3A_190 = vector.multi_reduction <add>, %select_n3A, %reduce_sum3A_189 [1] : vector<1024x1024xf32> to vector<1024xf32>
    %broadcast_in_dim3A_191 = vector.shape_cast %reduce_sum3A_190 : vector<1024xf32> to vector<1024x1xf32>
    %sub3A_192 = arith.subf %add3A_185, %broadcast_in_dim3A_191 : vector<1024x1xf32>
    %reduce_sum3A_193 = vector.shape_cast %sub3A_192 : vector<1024x1xf32> to vector<1x1024x1xf32>
    %reduce_sum3A_194 = arith.constant dense<0.000000e+00> : vector<1xf32>
    %reduce_sum3A_195 = vector.multi_reduction <add>, %reduce_sum3A_193, %reduce_sum3A_194 [1, 2] : vector<1x1024x1xf32> to vector<1xf32>
    %reduce_sum3A_196 = vector.shape_cast %reduce_sum3A_195 : vector<1xf32> to vector<1x1x1xf32>
    %reduce_sum3A_197 = vector.extract %reduce_sum3A_196[0, 0, 0] : f32 from vector<1x1x1xf32>
    %div3A_198 = arith.constant 1.024000e+03 : f32
    %div3A_199 = arith.divf %reduce_sum3A_197, %div3A_198 : f32
    %swap3A = arith.constant 0 : index
    %swap3A_200 = arith.constant 0 : index
    %swap3A_201 = memref.load %arg9[%swap3A, %swap3A_200] : memref<1x1xf32, #tpu.memory_space<smem>>
    memref.store %div3A_199, %arg9[%swap3A, %swap3A_200] : memref<1x1xf32, #tpu.memory_space<smem>>
    return
  }
}

</mosaic_0001>

<sc_bundles>
// kernel: kernel.5.cloned.1.call-start
scs
__scs_entry_jumppad:
0x0: {  	(pc) =	sbr.rel $0x88, $3  }
0x1: {  	(tag) =	ssettag $0x0;
	lr =	simm.s32 $0x1  }
0x2: {  	[smem:$0x3F99] =	sst lr;
	_ =	strace $0xD0000000  }
0x3: {  	_ = 	snop  }
0x4: {  	_ = 	snop  }
0x5: {  	_ = 	snop  }
0x6: {  	_ = 	snop  }
0x7: {  	_ = 	snop  }
__scs_overlays_trampoline_lowered:
0x8: {  	[smem:$0x3FA8] =	sst s0  }
0x9: {  	[smem:$0x3FA9] =	sst s1  }
0xa: {  	[smem:$0x3FAA] =	sst s2  }
0xb: {  	[smem:$0x3FAB] =	sst s3  }
0xc: {  	[smem:$0x3FAC] =	sst s4  }
0xd: {  	[smem:$0x3FAD] =	sst s5  }
0xe: {  	[smem:$0x3FAE] =	sst s6  }
0xf: {  	[smem:$0x3FAF] =	sst s7  }
0x10: {  	[smem:$0x3FB0] =	sst s8  }
0x11: {  	[smem:$0x3FB1] =	sst s9;
	s0 =	simm.s32 @!p0 $0x0  }
0x12: {  	s1 =	sld [smem:$0x3F97];
	s0 =	simm.s32 @p0 $0x1  }
0x13: {  	[smem:$0x3FB2] =	sst s0;
	s0 =	simm.s32 @!p1 $0x0  }
0x14: {  	s2 =	sld [smem:$0x3F96];
	s0 =	simm.s32 @p1 $0x1  }
0x15: {  	[smem:$0x3FB3] =	sst s0;
	s0 =	simm.s32 @!p2 $0x0  }
0x16: {  	s3 =	sld [smem:$0x3FDB];
	s0 =	simm.s32 @p2 $0x1  }
0x17: {  	s4 =	simm.s32 $0x1BF5;
	[smem:$0x3FB5] =	sst s0  }
0x18: {  	s0 =	sld [smem:$0x3F98];
	_ =	swait.ge [sflag:s4], $0x0  }
0x19: {  	s7 =	sld [smem:$0x3F99]  }
0x1a: {  	s8 =	sadd.s32 $0xFFFFE003, lr  }
0x1b: {  	s9 =	sadd.s32 $0xFFFFFEF7, lr;
	s5 =	simm.s32 $0xFFFFFFFF;
	p2 =	slt.u32 s8, $0xFFFFF086  }
0x1c: {  	p1 =	slt.u32 s9, $0xF7A;
	s5 =	simm.s32 @!p2 $0x0  }
0x1d: {  	s5 =	simm.s32 @p1 $0x1;
	p0 =	seq.s32 s7, s2  }
0x1e: {  	s7 =	smul.u32 @!p0 $0xF7A, s2;
	p2 =	seq.s32 @!p0 s5, $0x0  }
0x1f: {  	s9 =	smul.u32 $0xF7A, s1;
	s8 =	simm.s32 @!p0 $0x1BF5;
	p2 =	por !p2, p0  }
0x20: {  	[sflag:s8] =	ssyncset.s32 @!p0 $0xFFFFF086;
	s6 =	sadd.s32 @!p0 s3, s7;
	s7 =	simm.s32 @!p0 $0x108  }
0x21: {  	s3 =	sadd.s32 s3, s9;
	s6 =	sadd.s32 @!p0 $0x88, s6;
	s7 =	simm.s32 @p2 $0x1082  }
0x22: {  	[simem:s7], [sflag:s8] =	dma.local @!p0 [hbm:s6], $0xF7A  }
0x23: {  	s9 =	sor.u32 $0xD0000000, s2;
	s6 =	simm.s32 $0x108;
	_ =	swait.ge @!p0 [sflag:s8], $0x0  }
0x24: {  	s3 =	sadd.s32 $0x88, s3;
	s6 =	simm.s32 @!p1 $0x1082;
	[sflag:s4] =	ssyncset.s32 $0xFFFFF086  }
0x25: {  	[simem:s6], [sflag:s4] =	dma.local [hbm:s3], $0xF7A  }
0x26: {  	[smem:$0x3F99] =	sst s1;
	(tag) =	ssettag s2;
	_ =	strace s9  }
0x27: {  	s1 =	sld [smem:$0x3FA9]  }
0x28: {  	s2 =	sld [smem:$0x3FAA]  }
0x29: {  	s4 =	sld [smem:$0x3FAC]  }
0x2a: {  	p0 =	seq.s32 s5, $0x0;
	s5 =	sld [smem:$0x3FAD]  }
0x2b: {  	s6 =	sld [smem:$0x3FAE]  }
0x2c: {  	s7 =	sld [smem:$0x3FAF]  }
0x2d: {  	s3 =	simm.s32 $0x108;
	s8 =	sld [smem:$0x3FB0]  }
0x2e: {  	s3 =	simm.s32 @!p0 $0x1082;
	s9 =	sld [smem:$0x3FB1]  }
0x2f: {  	lr =	sadd.s32 s0, s3;
	s0 =	sld [smem:$0x3FA8]  }
0x30: {  	s3 =	sld [smem:$0x3FAB]  }
0x31: {  	[smem:$0x3FB4] =	sst s10  }
0x32: {  	s10 =	sld [smem:$0x3FB2];
	_ =	sdelay $0x3  }
0x33: {  	p0 =	seq.s32 s10, $0x1;
	s10 =	sld [smem:$0x3FB4];
	_ =	sdelay $0x3  }
0x34: {  	[smem:$0x3FB4] =	sst s10  }
0x35: {  	s10 =	sld [smem:$0x3FB3];
	_ =	sdelay $0x3  }
0x36: {  	p1 =	seq.s32 s10, $0x1;
	s10 =	sld [smem:$0x3FB4];
	_ =	sdelay $0x3  }
0x37: {  	[smem:$0x3FB4] =	sst s10  }
0x38: {  	s10 =	sld [smem:$0x3FB5]  }
0x39: {  	_ = 	snop;
	(pc) =	sbr.ind lr, $3  }
0x3a: {  	_ = 	snop  }
0x3b: {  	_ = 	snop  }
0x3c: {  	p2 =	seq.s32 s10, $0x1;
	s10 =	sld [smem:$0x3FB4]  }
0x3d: {  	_ =	shalt  }
0x3e: {  	_ =	shalt  }
0x3f: {  	_ =	shalt  }
0x40: {  	_ =	shalt  }
0x41: {  	_ =	shalt  }
0x42: {  	_ =	shalt  }
0x43: {  	_ =	shalt  }
0x44: {  	_ =	shalt  }
0x45: {  	_ =	shalt  }
0x46: {  	_ =	shalt  }
0x47: {  	_ =	shalt  }
0x48: {  	_ =	shalt  }
0x49: {  	_ =	shalt  }
0x4a: {  	_ =	shalt  }
0x4b: {  	_ =	shalt  }
0x4c: {  	_ =	shalt  }
0x4d: {  	_ =	shalt  }
0x4e: {  	_ =	shalt  }
0x4f: {  	_ =	shalt  }
0x50: {  	_ =	shalt  }
0x51: {  	_ =	shalt  }
0x52: {  	_ =	shalt  }
0x53: {  	_ =	shalt  }
0x54: {  	_ =	shalt  }
0x55: {  	_ =	shalt  }
0x56: {  	_ =	shalt  }
0x57: {  	_ =	shalt  }
0x58: {  	_ =	shalt  }
0x59: {  	_ =	shalt  }
0x5a: {  	_ =	shalt  }
0x5b: {  	_ =	shalt  }
0x5c: {  	_ =	shalt  }
0x5d: {  	_ =	shalt  }
0x5e: {  	_ =	shalt  }
0x5f: {  	_ =	shalt  }
0x60: {  	_ =	shalt  }
0x61: {  	_ =	shalt  }
0x62: {  	_ =	shalt  }
0x63: {  	_ =	shalt  }
0x64: {  	_ =	shalt  }
0x65: {  	_ =	shalt  }
0x66: {  	_ =	shalt  }
0x67: {  	_ =	shalt  }
0x68: {  	_ =	shalt  }
0x69: {  	_ =	shalt  }
0x6a: {  	_ =	shalt  }
0x6b: {  	_ =	shalt  }
0x6c: {  	_ =	shalt  }
0x6d: {  	_ =	shalt  }
0x6e: {  	_ =	shalt  }
0x6f: {  	_ =	shalt  }
0x70: {  	_ =	shalt  }
0x71: {  	_ =	shalt  }
0x72: {  	_ =	shalt  }
0x73: {  	_ =	shalt  }
0x74: {  	_ =	shalt  }
0x75: {  	_ =	shalt  }
0x76: {  	_ =	shalt  }
0x77: {  	_ =	shalt  }
0x78: {  	_ =	shalt  }
0x79: {  	_ =	shalt  }
0x7a: {  	_ =	shalt  }
0x7b: {  	_ =	shalt  }
0x7c: {  	_ =	shalt  }
0x7d: {  	_ =	shalt  }
0x7e: {  	_ =	shalt  }
0x7f: {  	_ =	shalt  }
0x80: {  	_ =	shalt  }
0x81: {  	_ =	shalt  }
0x82: {  	_ =	shalt  }
0x83: {  	_ =	shalt  }
0x84: {  	_ =	shalt  }
0x85: {  	_ =	shalt  }
0x86: {  	_ =	shalt  }
0x87: {  	_ =	shalt  }
.Lfunc_end0:
.L_simem_size_0:
called_computation_lowered:
.L_overlay_start_0:
0x88: {  	s2 =	sld [smem:$0x3FD9]  }
0x89: {  	s3 =	sld [smem:$0x3FFE];
	_ =	sdelay $0x1  }
0x8a: {  	s1 =	srdreg.scid  }
0x8b: {  	s0 =	sand.u32 $0x1, s1  }
0x8c: {  	s16 =	sshll.u32 s0, $0xA;
	s2 =	sadd.s32 s3, s2  }
0x8d: {  	s2 =	sadd.s32 s2, s16  }
0x8e: {  	[smem:$0x3FC0] =	sst s2  }
0x8f: {  	_ = 	snop  }
0x90: {  	(tm) =	ssettm $0x1  }
0x91: {  	s17 =	sld [smem:$0x3FFB];
	_ =	sdelay $0x3  }
0x92: {  	_ =	strace s17  }
0x93: {  	s2 =	sld [smem:$0x3FFC];
	_ =	sdelay $0x3  }
0x94: {  	_ =	strace s2  }
0x95: {  	s2 =	sld [smem:$0x3FFD];
	_ =	sdelay $0x3  }
0x96: {  	_ =	strace s2  }
0x97: {  	_ =	strace $0x8FFFFFFF  }
0x98: {  	s18 =	sld [smem:$0x3FDB];
	_ =	sdelay $0x1  }
0x99: {  	s19 =	simm.s32 $_scs_section_size  }
0x9a: {  	s4 =	simm.s32 $_size__tile_overlayer_lowered;
	s5 =	simm.s32 $_tile_overlayer_lowered  }
0x9b: {  	s22 =	simm.s32 $0x1BFF;
	s21 =	sshll.u32 s5, $0x1;
	s2 =	sadd.s32 s19, s18  }
0x9c: {  	s6 =	simm.s32 $0x0;
	s20 =	sshll.u32 s4, $0x1;
	s4 =	sadd.s32 s21, s2  }
0x9d: {  	[timem:s6], [sflag:s22] =	dma.local [hbm:s4], s20  }
0x9e: {  	_ =	swait.ge [sflag:s22], s20  }
0x9f: {  	s3 =	ssub.s32 $0x0, s20;
	[sflag:s22] =	ssyncset.done $0x0  }
0xa0: {  	[sflag:s22] =	ssyncadd.s32 s3;
	_ =	sdelay $0x1  }
0xa1: {  	s23 =	simm.s32 $0x1B8B  }
0xa2: {  	_ =	swait.ge [sflag:s23], $0x1  }
0xa3: {  	[sflag:s23] =	ssyncset.done $0x0  }
0xa4: {  	s25 =	simm.s32 $0x1B8E;
	s24 =	sld [smem:$0x3FFE];
	[sflag:s23] =	ssyncadd.s32 $0xFFFFFFFF  }
0xa5: {  	s26 =	simm.s32 $execute0_lowered;
	[smem:$0x3FD2] =	sst s25  }
0xa6: {  	s4 =	sshll.u32 s26, $0x1;
	_ =	strace $0x80000046;
	[dreg:$0x1] =	wrdreg $0xFFFFFFFF  }
0xa7: {  	s28 =	simm.s32 $_size_execute0_lowered;
	s2 =	sadd.s32 s2, s4;
	[dreg:$0x0] =	wrdreg $0x0  }
0xa8: {  	s4 =	sshll.u32 s28, $0x1;
	[dreg:$0x2] =	wrdreg s2  }
0xa9: {  	[dreg:$0x3] =	wrdreg s4  }
0xaa: {  	[dreg:$0x4] =	wrdreg $0xC0  }
0xab: {  	_ =	task [dreg:s6], $0x5FFFF  }
0xac: {  	[dreg:$0x1] =	wrdreg $0xFFFFFFFF  }
0xad: {  	[dreg:$0x0] =	wrdreg $0x60  }
0xae: {  	[dreg:$0x2] =	wrdreg s24  }
0xaf: {  	[dreg:$0x3] =	wrdreg $0x9  }
0xb0: {  	_ =	task.clear_ibuf [dreg:s6], $0x4FFFF;
	_ =	strace $0x90000046  }
0xb1: {  	s29 =	simm.s32 $0x9;
	_ =	strace $0x80000048  }
0xb2: {  	_ =	swait.ge [sflag:s29], $0x1  }
0xb3: {  	[sflag:s29] =	ssyncadd.s32 $0xFFFFFFFF  }
0xb4: {  	_ =	strace $0x90000048  }
0xb5: {  	_ =	sfence  }
0xb6: {  	s30 =	sld [smem:$0x0];
	_ =	sdelay $0x2  }
0xb7: {  	s31 =	sshll.u32 s1, $0xD;
	s1 =	sshrl.u32 s1, $0x2  }
0xb8: {  	s3 =	sand.u32 $0x4000, s31;
	s1 =	sadd.s32 s1, s30  }
0xb9: {  	s0 =	sor.u32 s3, s0;
	s1 =	sshll.u32 s1, $0x11  }
0xba: {  	s0 =	sor.u32 s1, s0  }
0xbb: {  	s0 =	sadd.s32 $0x8F2B, s0  }
0xbc: {  	[sflag:s0] =	ssyncadd.remote.s32 $0x1  }
0xbd: {  	_ =	sfence.sel $0xFFFF  }
0xbe: {  	[dreg:$0x0] =	wrdreg $0xFFFFFFFF;
	(pc) =	sbr.abs _section_cstart, $3  }
0xbf: {  	[dreg:$0x1] =	wrdreg $0xFFFFFFFF  }
0xc0: {  	_ =	task.clear_ibuf [dreg:s6], $0x2FFFF;
	_ =	strace $0x9FFFFFFF  }
0xc1: {  	(tm) =	ssettm $0x7FFFFFFF  }
tec
execute0_lowered:
.L_overlay_start_1:
0x0: {  	(tag) =	ssettag $0x1  }
0x1: {  	s1 =	srdreg.scid;
	s0 =	stileid.u32  }
0x2: {  	s5 =	rddreg [dreg:$0x0];
	s2 =	simm.s32 $0x0;
	s10 =	simm.s32 $0x400  }
0x3: {  	s11 =	simm.s32 $0x1;
	s4 =	sand.u32 $0x1, s1;
	s30 =	sshll.u32 s0, $0x1  }
0x4: {  	s12 =	simm.s32 $0x18F80;
	s13 =	simm.s32 $0x19000;
	s3 =	sor.u32 s4, s30  }
0x5: {  	s14 =	simm.s32 $0x19080;
	s1 =	rddreg [dreg:$0x1];
	s3 =	smul.u32 $0x18, s3  }
.Ltmp0:
0x6: {  	s15 =	simm.s32 $0x0;
	[smem:$0x7FF] =	sst s2;
	(pc) =	sbr.rel .LBB2_1-.Ltmp0, $4  }
0x7: {  	_ =	strace $0x80000047;
	s7 =	ssub.s32 $0x2, s4;
	s6 =	sshrl.u32 s3, $0x3  }
0x8: {  	s4 =	sadd.s32 $0x1870E00, s5;
	s31 =	sshrl.u32 s7, $0x1;
	s8 =	sadd.s32 s6, s5  }
0x9: {  	s9 =	ssub.s32 s7, s31;
	s5 =	sadd.s32 $0x1200, s8;
	s6 =	sadd.s32 $0x1000, s8  }
0xa: {  	v0 =	vimm.f32 $0.0e+00;
	v1 =	vimm.s32 $0x0;
	v2 =	vlaneseq.u32;
	s7 =	sadd.s32 $0xE00, s8;
	s8 =	smax.u32 s9, $0x1;
	s9 =	simm.s32 $0x80  }
.LBB2_23:
0xb: {  	[tilespmem:$0x18F90] =	vst v5  }
0xc: {  	[tilespmem:$0x19010] =	vst v4  }
0xd: {  	[tilespmem:$0x19090] =	vst v3  }
0xe: {  	[hbm4b:s5+s2] =	stream.linear.scatter [tilespmem:s12], [sflag:$0x1], $0x18, $0x38;
	[tilespmem:$0x19100] =	vst v63  }
0xf: {  	_ =	swait.ge [sflag:s11], $0x18  }
0x10: {  	[sflag:s11] =	ssyncset.done $0x0  }
0x11: {  	[sflag:s11] =	ssyncadd.s32 $0xFFFFFFE8  }
0x12: {  	[hbm4b:s6+s2] =	stream.linear.scatter [tilespmem:s13], [sflag:$0x1], $0x18, $0x38;
	[tilespmem:$0x19100] =	vst v63  }
0x13: {  	s15 =	sadd.s32 $0x1, s15;
	_ =	swait.ge [sflag:s11], $0x18  }
0x14: {  	p0 =	sne.s32 s15, s8;
	[sflag:s11] =	ssyncset.done $0x0  }
.Ltmp1:
0x15: {  	[sflag:s11] =	ssyncadd.s32 $0xFFFFFFE8;
	(pc) =	sbr.rel @!p0 .LBB2_24-.Ltmp1, $4  }
0x16: {  	[hbm4b:s7+s2] =	stream.linear.scatter [tilespmem:s14], [sflag:$0x1], $0x18, $0x38;
	[tilespmem:$0x19100] =	vst v63  }
0x17: {  	_ =	swait.ge [sflag:s11], $0x18  }
0x18: {  	[sflag:s11] =	ssyncset.done $0x0  }
0x19: {  	[sflag:s11] =	ssyncadd.s32 $0xFFFFFFE8  }
.LBB2_1:
.Ltmp2:
0x1a: {  	(pc) =	sbr.rel .LBB2_2-.Ltmp2, $2  }
0x1b: {  	_ =	sdelay $0x2  }
0x1c: {  	v3 =	vimm.f32 $0.0e+00;
	v4 =	vimm.f32 $0.0e+00;
	v5 =	vimm.f32 $0.0e+00;
	s16 =	simm.s32 $0x0  }
.LBB2_12:
0x1d: {  	v7 =	vimm.f32 $0.0e+00  }
.LBB2_22:
0x1e: {  	(xrf2) =	vadd.scan.msk.f32 $0xffff, v6  }
0x1f: {  	(xrf2) =	vadd.scan.msk.f32 $0xffff, v7;
	_ =	sdelay $0x7  }
0x20: {  	s17 =	sand.u32 $0xF, s16  }
0x21: {  	v8 =	vmov s17;
	v6, _, _ =	vpop (xrf2)  }
0x22: {  	vm0 =	veq.s32 v8, v2;
	v7, _, _ =	vpop (xrf2);
	v6 =	vbroadcast v6, $0xF  }
0x23: {  	p0 =	sne.s32 s17, $0xF;
	v3 =	vsel vm0, s18, v3;
	v7 =	vbroadcast v7, $0xF  }
0x24: {  	[tilespmem:s16+$0x19071] =	vst @!p0 v3;
	v5 =	vsel vm0, v6, v5  }
0x25: {  	v4 =	vsel vm0, v7, v4;
	[tilespmem:s16+$0x18F71] =	vst @!p0 v5  }
0x26: {  	[tilespmem:s16+$0x18FF1] =	vst @!p0 v4;
	s16 =	sadd.s32 $0x1, s16  }
0x27: {  	p0 =	sne.s32 s16, $0x18  }
.Ltmp3:
0x28: {  	_ = 	snop;
	(pc) =	sbr.rel @!p0 .LBB2_23-.Ltmp3, $1  }
0x29: {  	_ =	sdelay $0x3  }
.LBB2_2:
0x2a: {  	s17 =	sadd.s32 s3, s16  }
0x2b: {  	s17 =	sshrl.u32 s17, $0x3  }
0x2c: {  	s18 =	sshll.u32 s16, $0x7;
	s17 =	smul.u32 $0xC3800, s17  }
0x2d: {  	s18 =	sand.u32 $0x380, s18  }
0x2e: {  	s17 =	sor.u32 s18, s17  }
0x2f: {  	s17 =	sshrl.u32 s17, $0x3  }
0x30: {  	s29 =	simm.s32 $0x0;
	s17 =	sadd.s32 s4, s17  }
0x31: {  	[tilespmem:s29], [sflag:$0x1] =	stream.strided.gather [hbm4b:s17+s9], $0x18700, s10, s9, $0x38;
	[tilespmem:$0x19100] =	vst v63  }
0x32: {  	_ =	swait.ge [sflag:s11], $0x18700  }
0x33: {  	[sflag:s11] =	ssyncset.done $0x0  }
0x34: {  	v6 =	vimm.s32 $0x0;
	[sflag:s11] =	ssyncadd.s32 $0xFFFE7900  }
0x35: {  	s30 =	simm.s32 $0x0;
	[tilespmem:$0x18F00] =	vst v6  }
0x36: {  	v7 =	vld [tilespmem:s30+$0x0]  }
0x37: {  	v8 =	vld [tilespmem:s30+$0x10];
	_ =	sdelay $0x4  }
0x38: {  	v9 =	vmax.f32 v7, v8  }
0x39: {  	(xrf0) =	vmax.scan.msk.f32 $0xffff, v9;
	_ =	sdelay $0x5  }
0x3a: {  	v9, _, _ =	vpop (xrf0)  }
0x3b: {  	(v2sf) =	vpush v9, $0xF;
	_ =	sdelay $0xe  }
0x3c: {  	s31 =	spop (v2sf)  }
0x3d: {  	p0 =	sgt.f32 s31, $9.975000020e-01;
	_ =	sdelay $0x1  }
0x3e: {  	vm0 =	vgt.f32 @p0 v7, $9.975000020e-01;
	v9 =	vimm.s32 @p0 $0x0  }
0x3f: {  	vm1 =	vgt.f32 @p0 v8, $9.975000020e-01;
	v10 =	vsel @p0 vm0, $0x1, v9  }
0x40: {  	v9 =	vsel @p0 vm1, $0x1, v9;
	(xrf0) =	vadd.scan.msk.s32 @p0 $0xffff, v10  }
0x41: {  	(xrf0) =	vadd.scan.msk.s32 @p0 $0xffff, v9;
	_ =	sdelay $0x4  }
0x42: {  	(v2sf) =	vpush @p0 v6, $0x0;
	v9, _, _ =	vpop @p0 (xrf0)  }
0x43: {  	(v2sf) =	vpush @p0 v9, $0xF;
	v9, _, _ =	vpop @p0 (xrf0)  }
0x44: {  	(v2sf) =	vpush @p0 v9, $0xF;
	_ =	sdelay $0x2  }
0x45: {  	(xrf1) =	vsort.dscd.msk.f32 @p0 $0xffff, v7, v7  }
0x46: {  	(xrf1) =	vsort.dscd.msk.f32 @p0 $0xffff, v8, v8;
	_ =	sdelay $0x8  }
0x47: {  	s19 =	spop @p0 (v2sf)  }
0x48: {  	s17 =	spop @p0 (v2sf)  }
0x49: {  	p1 =	slt.s32 @p0 s19, $0x7E0;
	s18 =	sadd.s32 @p0 s17, s19;
	s20 =	spop @p0 (v2sf)  }
0x4a: {  	p1 =	por !p1, !p0;
	p2 =	slt.s32 @p0 s18, $0x7F0;
	s17 =	sadd.s32 @p0 s17, s20  }
0x4b: {  	v9, _, _ =	vpop @p0 (xrf1);
	s19 =	simm.s32 @p1 $0x7E0;
	p1 =	por !p2, !p0;
	v8 =	vadd.s32 @p0 s17, v6  }
0x4c: {  	v7, _, _ =	vpop @p0 (xrf1);
	[tilespmem:s19+$0x18700] =	vst @p0 v9;
	s17 =	simm.s32 $0x80;
	s18 =	simm.s32 @p1 $0x7F0;
	v6 =	vpsel p0, v8, v6  }
.LBB2_3:
0x4d: {  	[tilespmem:s18+$0x18700] =	vst @p0 v7;
	s18 =	smov.u32 s17;
	s17 =	sadd.s32 $0x80, s17  }
0x4e: {  	s18 =	sshra.s32 s18, $0x2;
	p1 =	sne.s32 s17, $0x61A80;
	[tilespmem:$0x18F00] =	vst @p0 v8  }
0x4f: {  	v7 =	vld [tilespmem:s18+$0x0]  }
0x50: {  	v8 =	vld [tilespmem:s18+$0x10];
	_ =	sdelay $0x4  }
0x51: {  	v9 =	vmax.f32 v7, v8  }
0x52: {  	(xrf0) =	vmax.scan.msk.f32 $0xffff, v9;
	_ =	sdelay $0x5  }
0x53: {  	v9, _, _ =	vpop (xrf0)  }
0x54: {  	(v2sf) =	vpush v9, $0xF;
	_ =	sdelay $0xe  }
0x55: {  	s18 =	spop (v2sf)  }
0x56: {  	p0 =	sgt.f32 s18, $9.975000020e-01;
	_ =	sdelay $0x1  }
0x57: {  	vm0 =	vgt.f32 @p0 v7, $9.975000020e-01;
	v9 =	vimm.s32 @p0 $0x0;
	vm1 =	vgt.f32 @p0 v8, $9.975000020e-01;
	(xrf1) =	vsort.dscd.msk.f32 @p0 $0xffff, v7, v7  }
0x58: {  	v7 =	vsel @p0 vm0, $0x1, v9;
	v9 =	vsel @p0 vm1, $0x1, v9;
	(xrf1) =	vsort.dscd.msk.f32 @p0 $0xffff, v8, v8  }
0x59: {  	(xrf0) =	vadd.scan.msk.s32 @p0 $0xffff, v7  }
0x5a: {  	(xrf0) =	vadd.scan.msk.s32 @p0 $0xffff, v9;
	_ =	sdelay $0x4  }
0x5b: {  	(v2sf) =	vpush @p0 v6, $0x0;
	v7, _, _ =	vpop @p0 (xrf0)  }
0x5c: {  	(v2sf) =	vpush @p0 v7, $0xF;
	v7, _, _ =	vpop @p0 (xrf0)  }
0x5d: {  	(v2sf) =	vpush @p0 v7, $0xF;
	_ =	sdelay $0x3  }
0x5e: {  	v8, _, _ =	vpop @p0 (xrf1)  }
0x5f: {  	v7, _, _ =	vpop @p0 (xrf1);
	_ =	sdelay $0x7  }
0x60: {  	s19 =	spop @p0 (v2sf)  }
.Ltmp4:
0x61: {  	p2 =	slt.s32 @p0 s19, $0x7E0;
	s20 =	spop @p0 (v2sf);
	(pc) =	sbr.rel @p1 .LBB2_3-.Ltmp4, $4  }
0x62: {  	p2 =	por !p2, !p0;
	s18 =	sadd.s32 @p0 s20, s19;
	s21 =	spop @p0 (v2sf)  }
0x63: {  	s19 =	simm.s32 @p2 $0x7E0;
	p2 =	slt.s32 @p0 s18, $0x7F0;
	s20 =	sadd.s32 @p0 s20, s21  }
0x64: {  	[tilespmem:s19+$0x18700] =	vst @p0 v8;
	p2 =	por !p2, !p0;
	v8 =	vadd.s32 @p0 s20, v6  }
0x65: {  	s18 =	simm.s32 @p2 $0x7F0;
	v6 =	vpsel p0, v8, v6  }
0x66: {  	(v2sf) =	vpush v6, $0x0;
	_ =	sdelay $0xe  }
0x67: {  	s19 =	spop (v2sf)  }
0x68: {  	[tilespmem:s18+$0x18700] =	vst @p0 v7;
	s17 =	sadd.s32 $0xFFFFFF9B, s19  }
0x69: {  	[tilespmem:$0x18F00] =	vst @p0 v8;
	p0 =	sgt.u32 s17, $0x78B  }
.Ltmp5:
0x6a: {  	_ = 	snop;
	(pc) =	sbr.rel @p0 .LBB2_16-.Ltmp5, $4  }
0x6b: {  	_ = 	snop  }
0x6c: {  	p1 =	slt.s32 s19, $0x7F0  }
0x6d: {  	s19 =	simm.s32 @!p1 $0x7F0  }
0x6e: {  	s18 =	simm.s32 $0xFFFFFFFF;
	s20 =	simm.s32 $0xFFFFFFFF;
	s17 =	simm.s32 $0x0;
	[tilespmem:s19+$0x18700] =	vst v0  }
.Ltmp6:
0x6f: {  	(pc) =	sbr.rel .LBB2_6-.Ltmp6, $4  }
0x70: {  	_ = 	snop  }
0x71: {  	s17 =	sadd.s32 $0xF, s19  }
0x72: {  	s18 =	simm.s32 $0x3F7F5C29;
	s17 =	sshrl.u32 s17, $0x4  }
0x73: {  	s19 =	simm.s32 $0x7F800000;
	s21 =	simm.s32 $0x4000A3D7;
	p0 =	seq.s32 s17, $0x0  }
.LBB2_16:
0x74: {  	s21 =	simm.s32 $0x0  }
0x75: {  	v8 =	vld [tilespmem:s21+$0x0];
	_ =	sdelay $0x1  }
0x76: {  	s19 =	sshrl.u32 s20, $0x1  }
0x77: {  	s19 =	sadd.s32 s17, s19  }
0x78: {  	v6 =	vimm.s32 $0x0;
	s20 =	simm.s32 $0x40;
	v7 =	vmov s19  }
.LBB2_17:
0x79: {  	s21 =	sshra.s32 s20, $0x2;
	p0 =	sne.s32 s20, $0x61A40;
	s20 =	sadd.s32 $0x40, s20;
	v9 =	vshra.s32 v8, $0x1F  }
.Ltmp7:
0x7a: {  	v9 =	vxor.u32 v9, v8;
	v8 =	vld [tilespmem:s21+$0x0];
	(pc) =	sbr.rel @p0 .LBB2_17-.Ltmp7, $4  }
0x7b: {  	v9 =	vxor.u32 $0x80000000, v9  }
0x7c: {  	vm0 =	vge.u32 v9, v7  }
0x7d: {  	v9 =	vsel vm0, $0x1, v1  }
0x7e: {  	v6 =	vadd.s32 v9, v6  }
0x7f: {  	v9 =	vshra.s32 v8, $0x1F  }
0x80: {  	v8 =	vxor.u32 v9, v8  }
0x81: {  	v8 =	vxor.u32 $0x80000000, v8  }
0x82: {  	vm0 =	vge.u32 v8, v7  }
0x83: {  	v7 =	vsel vm0, $0x1, v1  }
0x84: {  	v6 =	vadd.s32 v7, v6  }
0x85: {  	(xrf0) =	vadd.scan.msk.s32 $0xffff, v6;
	_ =	sdelay $0x5  }
0x86: {  	v6, _, _ =	vpop (xrf0)  }
0x87: {  	(v2sf) =	vpush v6, $0xF;
	_ =	sdelay $0xe  }
0x88: {  	s20 =	spop (v2sf)  }
0x89: {  	p0 =	sgt.s32 s20, $0x64  }
0x8a: {  	s17 =	smov.u32 @p0 s19;
	s19 =	smov.u32 @p0 s18  }
0x8b: {  	s20 =	ssub.s32 s19, s17  }
0x8c: {  	p0 =	sgt.u32 s20, $0x1  }
.Ltmp8:
0x8d: {  	_ = 	snop;
	(pc) =	sbr.rel @p0 .LBB2_16-.Ltmp8, $2  }
0x8e: {  	_ =	sdelay $0x2  }
0x8f: {  	s18 =	smov.u32 s19  }
0x90: {  	s17 =	sxor.u32 $0x80000000, s17  }
0x91: {  	v6 =	vmov s17  }
0x92: {  	v6 =	vshra.s32 v6, $0x1F  }
0x93: {  	v6 =	vxor.u32 s17, v6  }
0x94: {  	(xrf0) =	vmax.scan.msk.f32 $0xffff, v6;
	_ =	sdelay $0x2  }
0x95: {  	s18 =	simm.s32 $0x0  }
0x96: {  	v10 =	vld [tilespmem:s18+$0x0];
	_ =	sdelay $0x1  }
0x97: {  	v7, _, _ =	vpop (xrf0)  }
0x98: {  	v8 =	vbroadcast v7, $0xF  }
0x99: {  	v9 =	vimm.f32 $0.0e+00;
	s17 =	simm.s32 $0x40;
	v6 =	vimm.f32 $0.0e+00  }
.LBB2_20:
0x9a: {  	s18 =	sshra.s32 s17, $0x2;
	p0 =	sne.s32 s17, $0x61A40;
	s17 =	sadd.s32 $0x40, s17;
	v11 =	vsub.f32 v10, v8  }
.Ltmp9:
0x9b: {  	v10 =	vld [tilespmem:s18+$0x0];
	(pc) =	sbr.rel @p0 .LBB2_20-.Ltmp9, $3  }
0x9c: {  	v11 =	vmax.f32 v11, $0.0e+00  }
0x9d: {  	v6 =	vadd.f32 v11, v6;
	v11 =	vmul.f32 v11, v11;
	_ =	sdelay $0x1  }
0x9e: {  	v9 =	vadd.f32 v11, v9  }
0x9f: {  	(v2sf) =	vpush v7, $0xF;
	_ =	sdelay $0x9  }
0xa0: {  	v7 =	vsub.f32 v10, v8  }
.Ltmp10:
0xa1: {  	_ = 	snop;
	(pc) =	sbr.rel .LBB2_22-.Ltmp10, $4  }
0xa2: {  	v7 =	vmax.f32 v7, $0.0e+00  }
0xa3: {  	v8 =	vmul.f32 v7, v7  }
0xa4: {  	v6 =	vadd.f32 v7, v6  }
0xa5: {  	v7 =	vadd.f32 v8, v9;
	s18 =	spop (v2sf)  }
.LBB2_9:
0xa6: {  	v7 =	vsel vm0, $0x1, v1  }
0xa7: {  	v6 =	vadd.s32 v7, v6  }
.LBB2_10:
0xa8: {  	(xrf0) =	vadd.scan.msk.s32 $0xffff, v6;
	_ =	sdelay $0x5  }
0xa9: {  	v6, _, _ =	vpop (xrf0)  }
0xaa: {  	(v2sf) =	vpush v6, $0xF;
	_ =	sdelay $0xe  }
0xab: {  	s21 =	spop (v2sf)  }
0xac: {  	p1 =	sgt.s32 s21, $0x64  }
0xad: {  	s18 =	smov.u32 @p1 s20;
	s20 =	smov.u32 @p1 s19  }
0xae: {  	s21 =	ssub.s32 s20, s18  }
0xaf: {  	p1 =	sgt.s32 s21, $0x1  }
.Ltmp11:
0xb0: {  	_ = 	snop;
	(pc) =	sbr.rel @!p1 .LBB2_11-.Ltmp11, $2  }
0xb1: {  	_ =	sdelay $0x2  }
0xb2: {  	s19 =	smov.u32 s20  }
.LBB2_6:
.Ltmp12:
0xb3: {  	(pc) =	sbr.rel @p0 .LBB2_10-.Ltmp12, $3  }
0xb4: {  	_ =	sdelay $0x1  }
0xb5: {  	s20 =	sshrl.u32 s21, $0x1  }
0xb6: {  	v6 =	vimm.s32 $0x0;
	s20 =	sadd.s32 s18, s20  }
0xb7: {  	s21 =	simm.s32 $0x18700  }
0xb8: {  	p1 =	sne.s32 s17, $0x1;
	v8 =	vld [tilespmem:s21+$0x0]  }
.Ltmp13:
0xb9: {  	_ = 	snop;
	(pc) =	sbr.rel @!p1 .LBB2_9-.Ltmp13, $3  }
0xba: {  	_ =	sdelay $0x1  }
0xbb: {  	v7 =	vmov s20  }
0xbc: {  	s22 =	simm.s32 $0x18710;
	s21 =	sadd.s32 $0xFFFFFFFF, s17;
	vm0 =	vge.s32 v8, v7  }
.LBB2_8:
0xbd: {  	v8 =	vld [tilespmem:s22+$0x0];
	p1 =	sne.s32 s21, $0x1;
	s21 =	sadd.s32 $0xFFFFFFFF, s21;
	v9 =	vsel vm0, $0x1, v1  }
.Ltmp14:
0xbe: {  	v6 =	vadd.s32 v9, v6;
	(pc) =	sbr.rel @p1 .LBB2_8-.Ltmp14, $2  }
0xbf: {  	_ =	sdelay $0x2  }
0xc0: {  	s22 =	sadd.s32 $0x10, s22;
	vm0 =	vge.s32 v8, v7  }
.Ltmp15:
0xc1: {  	_ = 	snop;
	(pc) =	sbr.rel .LBB2_9-.Ltmp15, $1  }
0xc2: {  	_ =	sdelay $0x3  }
.LBB2_11:
0xc3: {  	v6 =	vmov s18  }
0xc4: {  	v6 =	vbroadcast v6, $0x0;
	_ =	sdelay $0x1  }
0xc5: {  	(xrf0) =	vmax.scan.msk.f32 $0xffff, v6;
	_ =	sdelay $0x5  }
0xc6: {  	v7, _, _ =	vpop (xrf0)  }
0xc7: {  	(v2sf) =	vpush v7, $0xF;
	_ =	sdelay $0xa  }
.Ltmp16:
0xc8: {  	_ = 	snop;
	(pc) =	sbr.rel @p0 .LBB2_12-.Ltmp16, $2  }
0xc9: {  	_ =	sdelay $0x2  }
0xca: {  	v6 =	vimm.f32 $0.0e+00;
	s18 =	spop (v2sf)  }
0xcb: {  	s19 =	simm.s32 $0x18700  }
0xcc: {  	p0 =	seq.s32 s17, $0x1;
	v8 =	vld [tilespmem:s19+$0x0]  }
.Ltmp17:
0xcd: {  	_ = 	snop;
	(pc) =	sbr.rel @p0 .LBB2_15-.Ltmp17, $3  }
0xce: {  	_ = 	snop  }
0xcf: {  	v7 =	vbroadcast v7, $0xF;
	_ =	sdelay $0x1  }
0xd0: {  	s17 =	sadd.s32 $0xFFFFFFFF, s17;
	s19 =	simm.s32 $0x18710;
	v9 =	vsub.f32 v8, v7;
	v8 =	vimm.f32 $0.0e+00  }
.LBB2_14:
0xd1: {  	v10 =	vld [tilespmem:s19+$0x0];
	p0 =	seq.s32 s17, $0x1;
	s17 =	sadd.s32 $0xFFFFFFFF, s17  }
.Ltmp18:
0xd2: {  	v9 =	vmax.f32 v9, $0.0e+00;
	(pc) =	sbr.rel @!p0 .LBB2_14-.Ltmp18, $3  }
0xd3: {  	v6 =	vadd.f32 v9, v6;
	v9 =	vmul.f32 v9, v9;
	_ =	sdelay $0x1  }
0xd4: {  	v8 =	vadd.f32 v9, v8  }
0xd5: {  	s19 =	sadd.s32 $0x10, s19;
	v9 =	vsub.f32 v10, v7  }
.LBB2_15:
.Ltmp19:
0xd6: {  	_ = 	snop;
	(pc) =	sbr.rel .LBB2_22-.Ltmp19, $4  }
0xd7: {  	v7 =	vmax.f32 v9, $0.0e+00  }
0xd8: {  	v9 =	vmul.f32 v7, v7  }
0xd9: {  	v6 =	vadd.f32 v7, v6  }
0xda: {  	v7 =	vadd.f32 v9, v8  }
.LBB2_24:
0xdb: {  	_ =	sfence.sel $0x180000  }
0xdc: {  	[bflag:$0x0] =	sbarrier.arrive $0xFFFF  }
0xdd: {  	p0 =	sne.s32 s0, $0x0;
	_ =	strace $0x90000047  }
0xde: {  	s0 =	sadd.s32 @!p0 $0x100000, s1;
	[bflag:$0x2] =	sbarrier.arrive $0xFFFF  }
0xdf: {  	[sflag:s0] =	ssyncadd.tile.s32 @!p0 $0x1;
	_ =	shalt  }
.Lfunc_end2:
_tile_overlayer_lowered:
.L_overlay_start_2:
0xe0: {  	(tag) =	ssettag $0x2  }
0xe1: {  	s0 =	rddreg [dreg:$0x0];
	s2 =	stileid.u32  }
0xe2: {  	s1 =	rddreg [dreg:$0x1];
	p0 =	sne.s32 s2, $0x0  }
0xe3: {  	s3 =	rddreg [dreg:$0x2];
	[bflag:$0x3] =	sbarrier.arrive $0xFFFF;
	s2 =	simm.s32 @!p0 $0x1C01  }
0xe4: {  	[timem:s3], [sflag:s2] =	dma.local @!p0 [hbm:s0], s1  }
0xe5: {  	s0 =	simm.s32 @!p0 $0x1  }
0xe6: {  	_ =	swait.ge @!p0 [sflag:s0], s1  }
0xe7: {  	s1 =	ssub.s32 @!p0 $0x0, s1;
	[sflag:s0] =	ssyncset.done @!p0 $0x0  }
0xe8: {  	[sflag:s0] =	ssyncadd.s32 @!p0 s1  }
0xe9: {  	[bflag:$0x3] =	sbarrier.arrive $0xFFFF  }
0xea: {  	_ =	shalt  }

</sc_bundles>
